<compile_context>
chip_gen: v7x
topology: tpu7x:2x2x1
jax: 0.10.2.dev20260603
libtpu: 0.0.44.dev20260713+nightly
codegen_flags: <defaults>
</compile_context>

<pallas_src>
import functools

import jax
import jax.numpy as jnp
from jax import lax
from jax.experimental import pallas as pl
from jax.experimental.pallas import tpu as pltpu
from jax.experimental.pallas import tpu_sc as plsc

N = 50000
E = 800000
D_IN = 512
D = 64

SPLIT = 25088
ROWS_T = SPLIT // 16
ACC_ROWS = SPLIT + 8
E_TILE = E // 16
K = 400
N_CHUNK = E_TILE // K


def _mm_body(x_ref, w_ref, b_ref, g_ref, xl_ref, ec_ref):
    xv = x_ref[...]
    xl_ref[...] = (
        jnp.dot(xv, w_ref[...], preferred_element_type=jnp.float32)
        + b_ref[...]
    )
    ec_ref[...] = jnp.dot(xv, g_ref[...], preferred_element_type=jnp.float32)


def _div_body(s_ref, c_ref, o_ref):
    cnt = jnp.maximum(c_ref[...], 1.0)
    o_ref[...] = s_ref[...] / cnt


def _sc_body(xl_hbm, src_hbm, dst_hbm, zer_hbm, zc_hbm,
             sum_hbm, cnt_hbm,
             acc_sh, cnt_sh, srcv, dstv, dstl2, rows_v, ones_v, sem):
    c = lax.axis_index("c")
    s = lax.axis_index("s")
    base = c * SPLIT

    for k in range(K // 16):
        ones_v[pl.ds(k * 16, 16)] = jnp.ones((16,), jnp.float32)

    pltpu.sync_copy(zer_hbm.at[pl.ds(s * ROWS_T, ROWS_T)],
                    acc_sh.at[pl.ds(s * ROWS_T, ROWS_T)])
    pltpu.sync_copy(zc_hbm.at[pl.ds(s * ROWS_T, ROWS_T)],
                    cnt_sh.at[pl.ds(s * ROWS_T, ROWS_T)])
    plsc.subcore_barrier()

    def chunk(i, carry):
        e0 = s * E_TILE + i * K
        pltpu.sync_copy(src_hbm.at[pl.ds(e0, K)], srcv)
        pltpu.sync_copy(dst_hbm.at[pl.ds(e0, K)], dstv)
        cps = []
        for off, sz in ((0, 128), (128, 128), (256, 128), (384, 16)):
            cps.append(pltpu.async_copy(
                xl_hbm.at[srcv.at[pl.ds(off, sz)]],
                rows_v.at[pl.ds(off, sz)], sem))
        for cp in cps:
            cp.wait()
        for k in range(K // 16):
            v = dstv[pl.ds(k * 16, 16)]
            dl = v - base
            keep = (dl >= 0) & (dl < SPLIT)
            dl = jnp.where(keep, dl, SPLIT)
            dstl2[k // 5, pl.ds((k % 5) * 16, 16)] = dl
        for j in range(K // 80):
            pltpu.sync_copy(rows_v.at[pl.ds(j * 80, 80)],
                            acc_sh.at[dstl2.at[j]], add=True)
            pltpu.sync_copy(ones_v.at[pl.ds(j * 80, 80)],
                            cnt_sh.at[dstl2.at[j]], add=True)
        return carry

    lax.fori_loop(0, N_CHUNK, chunk, 0)
    plsc.subcore_barrier()

    pltpu.sync_copy(acc_sh.at[pl.ds(s * ROWS_T, ROWS_T)],
                    sum_hbm.at[pl.ds(base + s * ROWS_T, ROWS_T)])
    pltpu.sync_copy(cnt_sh.at[pl.ds(s * ROWS_T, ROWS_T)],
                    cnt_hbm.at[pl.ds(base + s * ROWS_T, ROWS_T)])


_sc_call = functools.partial(
    pl.kernel,
    out_type=(
        jax.ShapeDtypeStruct((2 * SPLIT, D), jnp.float32),
        jax.ShapeDtypeStruct((2 * SPLIT,), jnp.float32),
    ),
    mesh=plsc.VectorSubcoreMesh(core_axis_name="c", subcore_axis_name="s"),
    scratch_types=[
        pltpu.VMEM_SHARED((ACC_ROWS, D), jnp.float32),
        pltpu.VMEM_SHARED((ACC_ROWS,), jnp.float32),
        pltpu.VMEM((K,), jnp.int32),
        pltpu.VMEM((K,), jnp.int32),
        pltpu.VMEM((K // 80, 80), jnp.int32),
        pltpu.VMEM((K, D), jnp.float32),
        pltpu.VMEM((K,), jnp.float32),
        pltpu.SemaphoreType.DMA,
    ],
    compiler_params=pltpu.CompilerParams(use_tc_tiling_on_sc=False),
)(_sc_body)


def kernel(x, z, edge_attr, W, b, W1, b1, edge_index):
    eg1 = z[0, 0] * jax.nn.relu(edge_attr[0, 0] * W1[0] + b1)

    xl, ec = pl.pallas_call(
        _mm_body,
        grid=(50,),
        in_specs=[
            pl.BlockSpec((N // 50, D_IN), lambda i: (i, 0)),
            pl.BlockSpec((D_IN, D), lambda i: (0, 0)),
            pl.BlockSpec((1, D), lambda i: (0, 0)),
            pl.BlockSpec((D_IN, 1), lambda i: (0, 0)),
        ],
        out_specs=[
            pl.BlockSpec((N // 50, D), lambda i: (i, 0)),
            pl.BlockSpec((N // 50, 1), lambda i: (i, 0)),
        ],
        out_shape=[
            jax.ShapeDtypeStruct((N, D), jnp.float32),
            jax.ShapeDtypeStruct((N, 1), jnp.float32),
        ],
    )(x, W, b.reshape(1, D), eg1.reshape(D_IN, 1))

    src = edge_index[0].astype(jnp.int32)
    dst = edge_index[1].astype(jnp.int32)
    zer = jnp.zeros((SPLIT, D), jnp.float32)
    zc = jnp.zeros((SPLIT,), jnp.float32)

    sums, cnt = _sc_call(xl, src, dst, zer, zc)

    out = pl.pallas_call(
        _div_body,
        grid=(125,),
        in_specs=[
            pl.BlockSpec((400, D), lambda i: (i, 0)),
            pl.BlockSpec((400, 1), lambda i: (i, 0)),
        ],
        out_specs=pl.BlockSpec((400, D), lambda i: (i, 0)),
        out_shape=jax.ShapeDtypeStruct((N, D), jnp.float32),
    )(sums, cnt.reshape(2 * SPLIT, 1))

    eg2 = ec.reshape(1, N)
    return (out, eg2)

# --- scband reference (transcript-rebuilt; emitter-appended) ---
"""Pipeline reference for scband-gnn-63591285784898 (READ-ONLY COPY).

The authoritative reference and input builder live on the scoring server;
editing this copy changes nothing except your own understanding.
"""

import jax, jax.numpy as jnp
import numpy as np

N = 50000
E = 800000
D_IN = 512
D_OUT = 64


def setup_inputs(seed: int = 0) -> dict:
    key = jax.random.key(seed)
    ks = jax.random.split(key, 8)
    x = jax.random.normal(ks[0], (N, D_IN), dtype=jnp.float32)
    z = jax.random.normal(ks[1], (1, 1), dtype=jnp.float32)
    edge_index = jax.random.randint(ks[2], (2, E), 0, N)
    edge_attr = jax.random.normal(ks[3], (1, 1), dtype=jnp.float32)
    # learned params: self.lin (512->64) and self.lin1 (1->512)
    W = jax.random.normal(ks[4], (D_IN, D_OUT), dtype=jnp.float32) * (1.0 / np.sqrt(D_IN))
    b = jnp.zeros((D_OUT,), dtype=jnp.float32)
    W1 = jax.random.normal(ks[5], (1, 512), dtype=jnp.float32)
    b1 = jax.random.normal(ks[6], (512,), dtype=jnp.float32) * 0.1
    return {"x": x, "z": z, "edge_attr": edge_attr, "W": W, "b": b, "W1": W1, "b1": b1, "edge_index": edge_index}


def reference(x, z, edge_attr, W, b, W1, b1, edge_index):
    # branch: x.shape[1]==512 and z.shape[1]==1
    eg1 = jnp.matmul(z.reshape(1, -1), jax.nn.relu(jnp.matmul(edge_attr, W1) + b1))  # [1,512]
    eg2 = jnp.matmul(eg1, x.T)  # [1, N]
    xl = jnp.matmul(x, W) + b  # [N, 64]
    src = edge_index[0]
    dst = edge_index[1]
    msg = xl[src]  # gather over edges
    summed = jax.ops.segment_sum(msg, dst, num_segments=N)
    cnt = jax.ops.segment_sum(jnp.ones((E,), dtype=xl.dtype), dst, num_segments=N)
    out = summed / jnp.maximum(cnt, 1.0)[:, None]  # aggr='mean'
    return (out, eg2)

if __name__ == "__main__":
    import jax
    _d = setup_inputs()
    print(jax.jit(kernel)(*tuple(_d.values())))

</pallas_src>

<mosaic_0001>
#map = affine_map<(d0, d1) -> (0, 0)>
#map1 = affine_map<(d0, d1) -> (0)>
module attributes {stable_mosaic.version = 14 : i64} {
  func.func @_sc_body(%arg0: i32, %arg1: i32, %arg2: memref<50000x64xf32, #tpu.memory_space<hbm>>, %arg3: memref<800000xi32, #tpu.memory_space<hbm>>, %arg4: memref<800000xi32, #tpu.memory_space<hbm>>, %arg5: memref<25088x64xf32, #tpu.memory_space<hbm>>, %arg6: memref<25088xf32, #tpu.memory_space<hbm>>, %arg7: memref<50176x64xf32, #tpu.memory_space<hbm>>, %arg8: memref<50176xf32, #tpu.memory_space<hbm>>, %arg9: memref<25096x64xf32, #tpu.memory_space<vmem_shared>>, %arg10: memref<25096xf32, #tpu.memory_space<vmem_shared>>, %arg11: memref<400xi32, #tpu.memory_space<vmem>>, %arg12: memref<400xi32, #tpu.memory_space<vmem>>, %arg13: memref<5x80xi32, #tpu.memory_space<vmem>>, %arg14: memref<400x64xf32, #tpu.memory_space<vmem>>, %arg15: memref<400xf32, #tpu.memory_space<vmem>>, %arg16: memref<!tpu.dma_semaphore, #tpu.memory_space<semaphore_mem>>) attributes {dimension_semantics = [#tpu.dimension_semantics<core_parallel>, #tpu.dimension_semantics<subcore_parallel>], iteration_bounds = array<i64: 2, 16>, scalar_prefetch = 0 : i64, scratch_operands = 8 : i64, tpu.core_type = #tpu.core_type<sc_vector_subcore>, window_params = [{transform_indices = #map}, {transform_indices = #map1}, {transform_indices = #map1}, {transform_indices = #map}, {transform_indices = #map1}, {transform_indices = #map}, {transform_indices = #map1}]} {
    %mul3A = arith.constant 25088 : i32
    %mul3A_0 = arith.muli %arg0, %mul3A : i32
    %broadcast_in_dim3A = arith.constant 1.000000e+00 : f32
    %broadcast_in_dim3A_1 = vector.broadcast %broadcast_in_dim3A : f32 to vector<16xf32>
    %swap3A = arith.constant 0 : index
    %swap3A_2 = tpu.vector_load %arg15[%swap3A] {strides = array<i32>} : memref<400xf32, #tpu.memory_space<vmem>>, vector<16xf32>,
    %swap3A_3 = vector.shape_cast %swap3A_2 : vector<16xf32> to vector<16xf32>
    %swap3A_4 = vector.shape_cast %broadcast_in_dim3A_1 : vector<16xf32> to vector<16xf32>
    tpu.vector_store %arg15[%swap3A], %swap3A_4 {strides = array<i32>} : memref<400xf32, #tpu.memory_space<vmem>>, vector<16xf32>,
    %broadcast_in_dim3A_5 = arith.constant 1.000000e+00 : f32
    %broadcast_in_dim3A_6 = vector.broadcast %broadcast_in_dim3A_5 : f32 to vector<16xf32>
    %swap3A_7 = arith.constant 16 : index
    %swap3A_8 = tpu.vector_load %arg15[%swap3A_7] {strides = array<i32>} : memref<400xf32, #tpu.memory_space<vmem>>, vector<16xf32>,
    %swap3A_9 = vector.shape_cast %swap3A_8 : vector<16xf32> to vector<16xf32>
    %swap3A_10 = vector.shape_cast %broadcast_in_dim3A_6 : vector<16xf32> to vector<16xf32>
    tpu.vector_store %arg15[%swap3A_7], %swap3A_10 {strides = array<i32>} : memref<400xf32, #tpu.memory_space<vmem>>, vector<16xf32>,
    %broadcast_in_dim3A_11 = arith.constant 1.000000e+00 : f32
    %broadcast_in_dim3A_12 = vector.broadcast %broadcast_in_dim3A_11 : f32 to vector<16xf32>
    %swap3A_13 = arith.constant 32 : index
    %swap3A_14 = tpu.vector_load %arg15[%swap3A_13] {strides = array<i32>} : memref<400xf32, #tpu.memory_space<vmem>>, vector<16xf32>,
    %swap3A_15 = vector.shape_cast %swap3A_14 : vector<16xf32> to vector<16xf32>
    %swap3A_16 = vector.shape_cast %broadcast_in_dim3A_12 : vector<16xf32> to vector<16xf32>
    tpu.vector_store %arg15[%swap3A_13], %swap3A_16 {strides = array<i32>} : memref<400xf32, #tpu.memory_space<vmem>>, vector<16xf32>,
    %broadcast_in_dim3A_17 = arith.constant 1.000000e+00 : f32
    %broadcast_in_dim3A_18 = vector.broadcast %broadcast_in_dim3A_17 : f32 to vector<16xf32>
    %swap3A_19 = arith.constant 48 : index
    %swap3A_20 = tpu.vector_load %arg15[%swap3A_19] {strides = array<i32>} : memref<400xf32, #tpu.memory_space<vmem>>, vector<16xf32>,
    %swap3A_21 = vector.shape_cast %swap3A_20 : vector<16xf32> to vector<16xf32>
    %swap3A_22 = vector.shape_cast %broadcast_in_dim3A_18 : vector<16xf32> to vector<16xf32>
    tpu.vector_store %arg15[%swap3A_19], %swap3A_22 {strides = array<i32>} : memref<400xf32, #tpu.memory_space<vmem>>, vector<16xf32>,
    %broadcast_in_dim3A_23 = arith.constant 1.000000e+00 : f32
    %broadcast_in_dim3A_24 = vector.broadcast %broadcast_in_dim3A_23 : f32 to vector<16xf32>
    %swap3A_25 = arith.constant 64 : index
    %swap3A_26 = tpu.vector_load %arg15[%swap3A_25] {strides = array<i32>} : memref<400xf32, #tpu.memory_space<vmem>>, vector<16xf32>,
    %swap3A_27 = vector.shape_cast %swap3A_26 : vector<16xf32> to vector<16xf32>
    %swap3A_28 = vector.shape_cast %broadcast_in_dim3A_24 : vector<16xf32> to vector<16xf32>
    tpu.vector_store %arg15[%swap3A_25], %swap3A_28 {strides = array<i32>} : memref<400xf32, #tpu.memory_space<vmem>>, vector<16xf32>,
    %broadcast_in_dim3A_29 = arith.constant 1.000000e+00 : f32
    %broadcast_in_dim3A_30 = vector.broadcast %broadcast_in_dim3A_29 : f32 to vector<16xf32>
    %swap3A_31 = arith.constant 80 : index
    %swap3A_32 = tpu.vector_load %arg15[%swap3A_31] {strides = array<i32>} : memref<400xf32, #tpu.memory_space<vmem>>, vector<16xf32>,
    %swap3A_33 = vector.shape_cast %swap3A_32 : vector<16xf32> to vector<16xf32>
    %swap3A_34 = vector.shape_cast %broadcast_in_dim3A_30 : vector<16xf32> to vector<16xf32>
    tpu.vector_store %arg15[%swap3A_31], %swap3A_34 {strides = array<i32>} : memref<400xf32, #tpu.memory_space<vmem>>, vector<16xf32>,
    %broadcast_in_dim3A_35 = arith.constant 1.000000e+00 : f32
    %broadcast_in_dim3A_36 = vector.broadcast %broadcast_in_dim3A_35 : f32 to vector<16xf32>
    %swap3A_37 = arith.constant 96 : index
    %swap3A_38 = tpu.vector_load %arg15[%swap3A_37] {strides = array<i32>} : memref<400xf32, #tpu.memory_space<vmem>>, vector<16xf32>,
    %swap3A_39 = vector.shape_cast %swap3A_38 : vector<16xf32> to vector<16xf32>
    %swap3A_40 = vector.shape_cast %broadcast_in_dim3A_36 : vector<16xf32> to vector<16xf32>
    tpu.vector_store %arg15[%swap3A_37], %swap3A_40 {strides = array<i32>} : memref<400xf32, #tpu.memory_space<vmem>>, vector<16xf32>,
    %broadcast_in_dim3A_41 = arith.constant 1.000000e+00 : f32
    %broadcast_in_dim3A_42 = vector.broadcast %broadcast_in_dim3A_41 : f32 to vector<16xf32>
    %swap3A_43 = arith.constant 112 : index
    %swap3A_44 = tpu.vector_load %arg15[%swap3A_43] {strides = array<i32>} : memref<400xf32, #tpu.memory_space<vmem>>, vector<16xf32>,
    %swap3A_45 = vector.shape_cast %swap3A_44 : vector<16xf32> to vector<16xf32>
    %swap3A_46 = vector.shape_cast %broadcast_in_dim3A_42 : vector<16xf32> to vector<16xf32>
    tpu.vector_store %arg15[%swap3A_43], %swap3A_46 {strides = array<i32>} : memref<400xf32, #tpu.memory_space<vmem>>, vector<16xf32>,
    %broadcast_in_dim3A_47 = arith.constant 1.000000e+00 : f32
    %broadcast_in_dim3A_48 = vector.broadcast %broadcast_in_dim3A_47 : f32 to vector<16xf32>
    %swap3A_49 = arith.constant 128 : index
    %swap3A_50 = tpu.vector_load %arg15[%swap3A_49] {strides = array<i32>} : memref<400xf32, #tpu.memory_space<vmem>>, vector<16xf32>,
    %swap3A_51 = vector.shape_cast %swap3A_50 : vector<16xf32> to vector<16xf32>
    %swap3A_52 = vector.shape_cast %broadcast_in_dim3A_48 : vector<16xf32> to vector<16xf32>
    tpu.vector_store %arg15[%swap3A_49], %swap3A_52 {strides = array<i32>} : memref<400xf32, #tpu.memory_space<vmem>>, vector<16xf32>,
    %broadcast_in_dim3A_53 = arith.constant 1.000000e+00 : f32
    %broadcast_in_dim3A_54 = vector.broadcast %broadcast_in_dim3A_53 : f32 to vector<16xf32>
    %swap3A_55 = arith.constant 144 : index
    %swap3A_56 = tpu.vector_load %arg15[%swap3A_55] {strides = array<i32>} : memref<400xf32, #tpu.memory_space<vmem>>, vector<16xf32>,
    %swap3A_57 = vector.shape_cast %swap3A_56 : vector<16xf32> to vector<16xf32>
    %swap3A_58 = vector.shape_cast %broadcast_in_dim3A_54 : vector<16xf32> to vector<16xf32>
    tpu.vector_store %arg15[%swap3A_55], %swap3A_58 {strides = array<i32>} : memref<400xf32, #tpu.memory_space<vmem>>, vector<16xf32>,
    %broadcast_in_dim3A_59 = arith.constant 1.000000e+00 : f32
    %broadcast_in_dim3A_60 = vector.broadcast %broadcast_in_dim3A_59 : f32 to vector<16xf32>
    %swap3A_61 = arith.constant 160 : index
    %swap3A_62 = tpu.vector_load %arg15[%swap3A_61] {strides = array<i32>} : memref<400xf32, #tpu.memory_space<vmem>>, vector<16xf32>,
    %swap3A_63 = vector.shape_cast %swap3A_62 : vector<16xf32> to vector<16xf32>
    %swap3A_64 = vector.shape_cast %broadcast_in_dim3A_60 : vector<16xf32> to vector<16xf32>
    tpu.vector_store %arg15[%swap3A_61], %swap3A_64 {strides = array<i32>} : memref<400xf32, #tpu.memory_space<vmem>>, vector<16xf32>,
    %broadcast_in_dim3A_65 = arith.constant 1.000000e+00 : f32
    %broadcast_in_dim3A_66 = vector.broadcast %broadcast_in_dim3A_65 : f32 to vector<16xf32>
    %swap3A_67 = arith.constant 176 : index
    %swap3A_68 = tpu.vector_load %arg15[%swap3A_67] {strides = array<i32>} : memref<400xf32, #tpu.memory_space<vmem>>, vector<16xf32>,
    %swap3A_69 = vector.shape_cast %swap3A_68 : vector<16xf32> to vector<16xf32>
    %swap3A_70 = vector.shape_cast %broadcast_in_dim3A_66 : vector<16xf32> to vector<16xf32>
    tpu.vector_store %arg15[%swap3A_67], %swap3A_70 {strides = array<i32>} : memref<400xf32, #tpu.memory_space<vmem>>, vector<16xf32>,
    %broadcast_in_dim3A_71 = arith.constant 1.000000e+00 : f32
    %broadcast_in_dim3A_72 = vector.broadcast %broadcast_in_dim3A_71 : f32 to vector<16xf32>
    %swap3A_73 = arith.constant 192 : index
    %swap3A_74 = tpu.vector_load %arg15[%swap3A_73] {strides = array<i32>} : memref<400xf32, #tpu.memory_space<vmem>>, vector<16xf32>,
    %swap3A_75 = vector.shape_cast %swap3A_74 : vector<16xf32> to vector<16xf32>
    %swap3A_76 = vector.shape_cast %broadcast_in_dim3A_72 : vector<16xf32> to vector<16xf32>
    tpu.vector_store %arg15[%swap3A_73], %swap3A_76 {strides = array<i32>} : memref<400xf32, #tpu.memory_space<vmem>>, vector<16xf32>,
    %broadcast_in_dim3A_77 = arith.constant 1.000000e+00 : f32
    %broadcast_in_dim3A_78 = vector.broadcast %broadcast_in_dim3A_77 : f32 to vector<16xf32>
    %swap3A_79 = arith.constant 208 : index
    %swap3A_80 = tpu.vector_load %arg15[%swap3A_79] {strides = array<i32>} : memref<400xf32, #tpu.memory_space<vmem>>, vector<16xf32>,
    %swap3A_81 = vector.shape_cast %swap3A_80 : vector<16xf32> to vector<16xf32>
    %swap3A_82 = vector.shape_cast %broadcast_in_dim3A_78 : vector<16xf32> to vector<16xf32>
    tpu.vector_store %arg15[%swap3A_79], %swap3A_82 {strides = array<i32>} : memref<400xf32, #tpu.memory_space<vmem>>, vector<16xf32>,
    %broadcast_in_dim3A_83 = arith.constant 1.000000e+00 : f32
    %broadcast_in_dim3A_84 = vector.broadcast %broadcast_in_dim3A_83 : f32 to vector<16xf32>
    %swap3A_85 = arith.constant 224 : index
    %swap3A_86 = tpu.vector_load %arg15[%swap3A_85] {strides = array<i32>} : memref<400xf32, #tpu.memory_space<vmem>>, vector<16xf32>,
    %swap3A_87 = vector.shape_cast %swap3A_86 : vector<16xf32> to vector<16xf32>
    %swap3A_88 = vector.shape_cast %broadcast_in_dim3A_84 : vector<16xf32> to vector<16xf32>
    tpu.vector_store %arg15[%swap3A_85], %swap3A_88 {strides = array<i32>} : memref<400xf32, #tpu.memory_space<vmem>>, vector<16xf32>,
    %broadcast_in_dim3A_89 = arith.constant 1.000000e+00 : f32
    %broadcast_in_dim3A_90 = vector.broadcast %broadcast_in_dim3A_89 : f32 to vector<16xf32>
    %swap3A_91 = arith.constant 240 : index
    %swap3A_92 = tpu.vector_load %arg15[%swap3A_91] {strides = array<i32>} : memref<400xf32, #tpu.memory_space<vmem>>, vector<16xf32>,
    %swap3A_93 = vector.shape_cast %swap3A_92 : vector<16xf32> to vector<16xf32>
    %swap3A_94 = vector.shape_cast %broadcast_in_dim3A_90 : vector<16xf32> to vector<16xf32>
    tpu.vector_store %arg15[%swap3A_91], %swap3A_94 {strides = array<i32>} : memref<400xf32, #tpu.memory_space<vmem>>, vector<16xf32>,
    %broadcast_in_dim3A_95 = arith.constant 1.000000e+00 : f32
    %broadcast_in_dim3A_96 = vector.broadcast %broadcast_in_dim3A_95 : f32 to vector<16xf32>
    %swap3A_97 = arith.constant 256 : index
    %swap3A_98 = tpu.vector_load %arg15[%swap3A_97] {strides = array<i32>} : memref<400xf32, #tpu.memory_space<vmem>>, vector<16xf32>,
    %swap3A_99 = vector.shape_cast %swap3A_98 : vector<16xf32> to vector<16xf32>
    %swap3A_100 = vector.shape_cast %broadcast_in_dim3A_96 : vector<16xf32> to vector<16xf32>
    tpu.vector_store %arg15[%swap3A_97], %swap3A_100 {strides = array<i32>} : memref<400xf32, #tpu.memory_space<vmem>>, vector<16xf32>,
    %broadcast_in_dim3A_101 = arith.constant 1.000000e+00 : f32
    %broadcast_in_dim3A_102 = vector.broadcast %broadcast_in_dim3A_101 : f32 to vector<16xf32>
    %swap3A_103 = arith.constant 272 : index
    %swap3A_104 = tpu.vector_load %arg15[%swap3A_103] {strides = array<i32>} : memref<400xf32, #tpu.memory_space<vmem>>, vector<16xf32>,
    %swap3A_105 = vector.shape_cast %swap3A_104 : vector<16xf32> to vector<16xf32>
    %swap3A_106 = vector.shape_cast %broadcast_in_dim3A_102 : vector<16xf32> to vector<16xf32>
    tpu.vector_store %arg15[%swap3A_103], %swap3A_106 {strides = array<i32>} : memref<400xf32, #tpu.memory_space<vmem>>, vector<16xf32>,
    %broadcast_in_dim3A_107 = arith.constant 1.000000e+00 : f32
    %broadcast_in_dim3A_108 = vector.broadcast %broadcast_in_dim3A_107 : f32 to vector<16xf32>
    %swap3A_109 = arith.constant 288 : index
    %swap3A_110 = tpu.vector_load %arg15[%swap3A_109] {strides = array<i32>} : memref<400xf32, #tpu.memory_space<vmem>>, vector<16xf32>,
    %swap3A_111 = vector.shape_cast %swap3A_110 : vector<16xf32> to vector<16xf32>
    %swap3A_112 = vector.shape_cast %broadcast_in_dim3A_108 : vector<16xf32> to vector<16xf32>
    tpu.vector_store %arg15[%swap3A_109], %swap3A_112 {strides = array<i32>} : memref<400xf32, #tpu.memory_space<vmem>>, vector<16xf32>,
    %broadcast_in_dim3A_113 = arith.constant 1.000000e+00 : f32
    %broadcast_in_dim3A_114 = vector.broadcast %broadcast_in_dim3A_113 : f32 to vector<16xf32>
    %swap3A_115 = arith.constant 304 : index
    %swap3A_116 = tpu.vector_load %arg15[%swap3A_115] {strides = array<i32>} : memref<400xf32, #tpu.memory_space<vmem>>, vector<16xf32>,
    %swap3A_117 = vector.shape_cast %swap3A_116 : vector<16xf32> to vector<16xf32>
    %swap3A_118 = vector.shape_cast %broadcast_in_dim3A_114 : vector<16xf32> to vector<16xf32>
    tpu.vector_store %arg15[%swap3A_115], %swap3A_118 {strides = array<i32>} : memref<400xf32, #tpu.memory_space<vmem>>, vector<16xf32>,
    %broadcast_in_dim3A_119 = arith.constant 1.000000e+00 : f32
    %broadcast_in_dim3A_120 = vector.broadcast %broadcast_in_dim3A_119 : f32 to vector<16xf32>
    %swap3A_121 = arith.constant 320 : index
    %swap3A_122 = tpu.vector_load %arg15[%swap3A_121] {strides = array<i32>} : memref<400xf32, #tpu.memory_space<vmem>>, vector<16xf32>,
    %swap3A_123 = vector.shape_cast %swap3A_122 : vector<16xf32> to vector<16xf32>
    %swap3A_124 = vector.shape_cast %broadcast_in_dim3A_120 : vector<16xf32> to vector<16xf32>
    tpu.vector_store %arg15[%swap3A_121], %swap3A_124 {strides = array<i32>} : memref<400xf32, #tpu.memory_space<vmem>>, vector<16xf32>,
    %broadcast_in_dim3A_125 = arith.constant 1.000000e+00 : f32
    %broadcast_in_dim3A_126 = vector.broadcast %broadcast_in_dim3A_125 : f32 to vector<16xf32>
    %swap3A_127 = arith.constant 336 : index
    %swap3A_128 = tpu.vector_load %arg15[%swap3A_127] {strides = array<i32>} : memref<400xf32, #tpu.memory_space<vmem>>, vector<16xf32>,
    %swap3A_129 = vector.shape_cast %swap3A_128 : vector<16xf32> to vector<16xf32>
    %swap3A_130 = vector.shape_cast %broadcast_in_dim3A_126 : vector<16xf32> to vector<16xf32>
    tpu.vector_store %arg15[%swap3A_127], %swap3A_130 {strides = array<i32>} : memref<400xf32, #tpu.memory_space<vmem>>, vector<16xf32>,
    %broadcast_in_dim3A_131 = arith.constant 1.000000e+00 : f32
    %broadcast_in_dim3A_132 = vector.broadcast %broadcast_in_dim3A_131 : f32 to vector<16xf32>
    %swap3A_133 = arith.constant 352 : index
    %swap3A_134 = tpu.vector_load %arg15[%swap3A_133] {strides = array<i32>} : memref<400xf32, #tpu.memory_space<vmem>>, vector<16xf32>,
    %swap3A_135 = vector.shape_cast %swap3A_134 : vector<16xf32> to vector<16xf32>
    %swap3A_136 = vector.shape_cast %broadcast_in_dim3A_132 : vector<16xf32> to vector<16xf32>
    tpu.vector_store %arg15[%swap3A_133], %swap3A_136 {strides = array<i32>} : memref<400xf32, #tpu.memory_space<vmem>>, vector<16xf32>,
    %broadcast_in_dim3A_137 = arith.constant 1.000000e+00 : f32
    %broadcast_in_dim3A_138 = vector.broadcast %broadcast_in_dim3A_137 : f32 to vector<16xf32>
    %swap3A_139 = arith.constant 368 : index
    %swap3A_140 = tpu.vector_load %arg15[%swap3A_139] {strides = array<i32>} : memref<400xf32, #tpu.memory_space<vmem>>, vector<16xf32>,
    %swap3A_141 = vector.shape_cast %swap3A_140 : vector<16xf32> to vector<16xf32>
    %swap3A_142 = vector.shape_cast %broadcast_in_dim3A_138 : vector<16xf32> to vector<16xf32>
    tpu.vector_store %arg15[%swap3A_139], %swap3A_142 {strides = array<i32>} : memref<400xf32, #tpu.memory_space<vmem>>, vector<16xf32>,
    %broadcast_in_dim3A_143 = arith.constant 1.000000e+00 : f32
    %broadcast_in_dim3A_144 = vector.broadcast %broadcast_in_dim3A_143 : f32 to vector<16xf32>
    %swap3A_145 = arith.constant 384 : index
    %swap3A_146 = tpu.vector_load %arg15[%swap3A_145] {strides = array<i32>} : memref<400xf32, #tpu.memory_space<vmem>>, vector<16xf32>,
    %swap3A_147 = vector.shape_cast %swap3A_146 : vector<16xf32> to vector<16xf32>
    %swap3A_148 = vector.shape_cast %broadcast_in_dim3A_144 : vector<16xf32> to vector<16xf32>
    tpu.vector_store %arg15[%swap3A_145], %swap3A_148 {strides = array<i32>} : memref<400xf32, #tpu.memory_space<vmem>>, vector<16xf32>,
    %mul3A_149 = arith.constant 1568 : i32
    %mul3A_150 = arith.muli %arg1, %mul3A_149 : i32
    %mul3A_151 = arith.constant 1568 : i32
    %mul3A_152 = arith.muli %arg1, %mul3A_151 : i32
    "tpu.region"() ({
      %run_scoped3A = tpu.sem_alloc : memref<!tpu.dma_semaphore, #tpu.memory_space<semaphore_mem>>
      %dma_start3A = arith.constant 0 : i32
      %dma_start3A_172 = tpu.memref_slice %arg9[%mul3A_152, %dma_start3A] : memref<25096x64xf32, #tpu.memory_space<vmem_shared>> -> memref<1568x64xf32, #tpu.memory_space<vmem_shared>>
      %dma_start3A_173 = arith.constant 0 : i32
      %dma_start3A_174 = tpu.memref_slice %arg5[%mul3A_150, %dma_start3A_173] : memref<25088x64xf32, #tpu.memory_space<hbm>> -> memref<1568x64xf32, #tpu.memory_space<hbm>>
      tpu.enqueue_dma source(%dma_start3A_174 : memref<1568x64xf32, #tpu.memory_space<hbm>>) target(%dma_start3A_172 : memref<1568x64xf32, #tpu.memory_space<vmem_shared>>) target_semaphore(%run_scoped3A : memref<!tpu.dma_semaphore, #tpu.memory_space<semaphore_mem>>)
      %dma_wait3A = arith.constant 0 : i32
      %dma_wait3A_175 = tpu.memref_slice %arg9[%mul3A_152, %dma_wait3A] : memref<25096x64xf32, #tpu.memory_space<vmem_shared>> -> memref<1568x64xf32, #tpu.memory_space<vmem_shared>>
      %dma_wait3A_176 = arith.constant 0 : i32
      %dma_wait3A_177 = tpu.memref_slice %arg5[%mul3A_150, %dma_wait3A_176] : memref<25088x64xf32, #tpu.memory_space<hbm>> -> memref<1568x64xf32, #tpu.memory_space<hbm>>
      tpu.wait_dma2 semaphore(%run_scoped3A : memref<!tpu.dma_semaphore, #tpu.memory_space<semaphore_mem>>) src(%dma_wait3A_177 : memref<1568x64xf32, #tpu.memory_space<hbm>>) dst(%dma_wait3A_175 : memref<1568x64xf32, #tpu.memory_space<vmem_shared>>)
      tpu.yield
    }) : () -> ()
    %mul3A_153 = arith.constant 1568 : i32
    %mul3A_154 = arith.muli %arg1, %mul3A_153 : i32
    %mul3A_155 = arith.constant 1568 : i32
    %mul3A_156 = arith.muli %arg1, %mul3A_155 : i32
    "tpu.region"() ({
      %run_scoped3A = tpu.sem_alloc : memref<!tpu.dma_semaphore, #tpu.memory_space<semaphore_mem>>
      %dma_start3A = tpu.memref_slice %arg10[%mul3A_156] : memref<25096xf32, #tpu.memory_space<vmem_shared>> -> memref<1568xf32, #tpu.memory_space<vmem_shared>>
      %dma_start3A_172 = tpu.memref_slice %arg6[%mul3A_154] : memref<25088xf32, #tpu.memory_space<hbm>> -> memref<1568xf32, #tpu.memory_space<hbm>>
      tpu.enqueue_dma source(%dma_start3A_172 : memref<1568xf32, #tpu.memory_space<hbm>>) target(%dma_start3A : memref<1568xf32, #tpu.memory_space<vmem_shared>>) target_semaphore(%run_scoped3A : memref<!tpu.dma_semaphore, #tpu.memory_space<semaphore_mem>>)
      %dma_wait3A = tpu.memref_slice %arg10[%mul3A_156] : memref<25096xf32, #tpu.memory_space<vmem_shared>> -> memref<1568xf32, #tpu.memory_space<vmem_shared>>
      %dma_wait3A_173 = tpu.memref_slice %arg6[%mul3A_154] : memref<25088xf32, #tpu.memory_space<hbm>> -> memref<1568xf32, #tpu.memory_space<hbm>>
      tpu.wait_dma2 semaphore(%run_scoped3A : memref<!tpu.dma_semaphore, #tpu.memory_space<semaphore_mem>>) src(%dma_wait3A_173 : memref<1568xf32, #tpu.memory_space<hbm>>) dst(%dma_wait3A : memref<1568xf32, #tpu.memory_space<vmem_shared>>)
      tpu.yield
    }) : () -> ()
    %barrier3A = arith.constant 0 : index
    tpu.barrier barrier_id(%barrier3A)
    %scan3A = arith.constant 0 : i32
    %scan3A_157 = arith.constant 0 : i32
    %scan3A_158 = arith.constant 125 : i32
    %scan3A_159 = arith.addi %scan3A_157, %scan3A_158 : i32
    %scan3A_160 = arith.constant 1 : i32
    scf.for %scan3A_172 = %scan3A_157 to %scan3A_159 step %scan3A_160  : i32 {
      %mul3A_173 = arith.constant 50000 : i32
      %mul3A_174 = arith.muli %arg1, %mul3A_173 : i32
      %mul3A_175 = arith.constant 400 : i32
      %mul3A_176 = arith.muli %scan3A_172, %mul3A_175 : i32
      %add3A_177 = arith.addi %mul3A_174, %mul3A_176 : i32
      "tpu.region"() ({
        %run_scoped3A_767 = tpu.sem_alloc : memref<!tpu.dma_semaphore, #tpu.memory_space<semaphore_mem>>
        %dma_start3A_768 = tpu.memref_slice %arg3[%add3A_177] : memref<800000xi32, #tpu.memory_space<hbm>> -> memref<400xi32, #tpu.memory_space<hbm>>
        %dma_start3A_769 = tpu.memref_slice %arg3[%add3A_177] : memref<800000xi32, #tpu.memory_space<hbm>> -> memref<400xi32, #tpu.memory_space<hbm>>
        tpu.enqueue_dma source(%dma_start3A_769 : memref<400xi32, #tpu.memory_space<hbm>>) target(%arg11 : memref<400xi32, #tpu.memory_space<vmem>>) target_semaphore(%run_scoped3A_767 : memref<!tpu.dma_semaphore, #tpu.memory_space<semaphore_mem>>)
        %dma_wait3A_770 = tpu.memref_slice %arg3[%add3A_177] : memref<800000xi32, #tpu.memory_space<hbm>> -> memref<400xi32, #tpu.memory_space<hbm>>
        %dma_wait3A_771 = tpu.memref_slice %arg3[%add3A_177] : memref<800000xi32, #tpu.memory_space<hbm>> -> memref<400xi32, #tpu.memory_space<hbm>>
        tpu.wait_dma2 semaphore(%run_scoped3A_767 : memref<!tpu.dma_semaphore, #tpu.memory_space<semaphore_mem>>) src(%dma_wait3A_771 : memref<400xi32, #tpu.memory_space<hbm>>) dst(%arg11 : memref<400xi32, #tpu.memory_space<vmem>>)
        tpu.yield
      }) : () -> ()
      "tpu.region"() ({
        %run_scoped3A_767 = tpu.sem_alloc : memref<!tpu.dma_semaphore, #tpu.memory_space<semaphore_mem>>
        %dma_start3A_768 = tpu.memref_slice %arg4[%add3A_177] : memref<800000xi32, #tpu.memory_space<hbm>> -> memref<400xi32, #tpu.memory_space<hbm>>
        %dma_start3A_769 = tpu.memref_slice %arg4[%add3A_177] : memref<800000xi32, #tpu.memory_space<hbm>> -> memref<400xi32, #tpu.memory_space<hbm>>
        tpu.enqueue_dma source(%dma_start3A_769 : memref<400xi32, #tpu.memory_space<hbm>>) target(%arg12 : memref<400xi32, #tpu.memory_space<vmem>>) target_semaphore(%run_scoped3A_767 : memref<!tpu.dma_semaphore, #tpu.memory_space<semaphore_mem>>)
        %dma_wait3A_770 = tpu.memref_slice %arg4[%add3A_177] : memref<800000xi32, #tpu.memory_space<hbm>> -> memref<400xi32, #tpu.memory_space<hbm>>
        %dma_wait3A_771 = tpu.memref_slice %arg4[%add3A_177] : memref<800000xi32, #tpu.memory_space<hbm>> -> memref<400xi32, #tpu.memory_space<hbm>>
        tpu.wait_dma2 semaphore(%run_scoped3A_767 : memref<!tpu.dma_semaphore, #tpu.memory_space<semaphore_mem>>) src(%dma_wait3A_771 : memref<400xi32, #tpu.memory_space<hbm>>) dst(%arg12 : memref<400xi32, #tpu.memory_space<vmem>>)
        tpu.yield
      }) : () -> ()
      %dma_start3A = arith.constant 0 : i32
      %dma_start3A_178 = arith.constant 0 : i32
      %dma_start3A_179 = tpu.memref_slice %arg14[%dma_start3A, %dma_start3A_178] : memref<400x64xf32, #tpu.memory_space<vmem>> -> memref<128x64xf32, #tpu.memory_space<vmem>>
      %dma_start3A_180 = arith.constant 0 : i32
      %dma_start3A_181 = tpu.memref_slice %arg11[%dma_start3A_180] : memref<400xi32, #tpu.memory_space<vmem>> -> memref<128xi32, #tpu.memory_space<vmem>>
      %dma_start3A_182 = arith.constant 0 : i32
      %dma_start3A_183 = arith.constant 0 : i32
      %dma_start3A_184 = tpu.memref_slice %arg2[%dma_start3A_182, %dma_start3A_183] : memref<50000x64xf32, #tpu.memory_space<hbm>> -> memref<50000x64xf32, #tpu.memory_space<hbm>>
      tpu.enqueue_indirect_dma source(%dma_start3A_184 : memref<50000x64xf32, #tpu.memory_space<hbm>>) target(%dma_start3A_179 : memref<128x64xf32, #tpu.memory_space<vmem>>) offsets(%dma_start3A_181 : memref<128xi32, #tpu.memory_space<vmem>>) semaphore(%arg16 : memref<!tpu.dma_semaphore, #tpu.memory_space<semaphore_mem>>)
      %dma_start3A_185 = arith.constant 128 : i32
      %dma_start3A_186 = arith.constant 0 : i32
      %dma_start3A_187 = tpu.memref_slice %arg14[%dma_start3A_185, %dma_start3A_186] : memref<400x64xf32, #tpu.memory_space<vmem>> -> memref<128x64xf32, #tpu.memory_space<vmem>>
      %dma_start3A_188 = arith.constant 128 : i32
      %dma_start3A_189 = tpu.memref_slice %arg11[%dma_start3A_188] : memref<400xi32, #tpu.memory_space<vmem>> -> memref<128xi32, #tpu.memory_space<vmem>>
      %dma_start3A_190 = arith.constant 0 : i32
      %dma_start3A_191 = arith.constant 0 : i32
      %dma_start3A_192 = tpu.memref_slice %arg2[%dma_start3A_190, %dma_start3A_191] : memref<50000x64xf32, #tpu.memory_space<hbm>> -> memref<50000x64xf32, #tpu.memory_space<hbm>>
      tpu.enqueue_indirect_dma source(%dma_start3A_192 : memref<50000x64xf32, #tpu.memory_space<hbm>>) target(%dma_start3A_187 : memref<128x64xf32, #tpu.memory_space<vmem>>) offsets(%dma_start3A_189 : memref<128xi32, #tpu.memory_space<vmem>>) semaphore(%arg16 : memref<!tpu.dma_semaphore, #tpu.memory_space<semaphore_mem>>)
      %dma_start3A_193 = arith.constant 256 : i32
      %dma_start3A_194 = arith.constant 0 : i32
      %dma_start3A_195 = tpu.memref_slice %arg14[%dma_start3A_193, %dma_start3A_194] : memref<400x64xf32, #tpu.memory_space<vmem>> -> memref<128x64xf32, #tpu.memory_space<vmem>>
      %dma_start3A_196 = arith.constant 256 : i32
      %dma_start3A_197 = tpu.memref_slice %arg11[%dma_start3A_196] : memref<400xi32, #tpu.memory_space<vmem>> -> memref<128xi32, #tpu.memory_space<vmem>>
      %dma_start3A_198 = arith.constant 0 : i32
      %dma_start3A_199 = arith.constant 0 : i32
      %dma_start3A_200 = tpu.memref_slice %arg2[%dma_start3A_198, %dma_start3A_199] : memref<50000x64xf32, #tpu.memory_space<hbm>> -> memref<50000x64xf32, #tpu.memory_space<hbm>>
      tpu.enqueue_indirect_dma source(%dma_start3A_200 : memref<50000x64xf32, #tpu.memory_space<hbm>>) target(%dma_start3A_195 : memref<128x64xf32, #tpu.memory_space<vmem>>) offsets(%dma_start3A_197 : memref<128xi32, #tpu.memory_space<vmem>>) semaphore(%arg16 : memref<!tpu.dma_semaphore, #tpu.memory_space<semaphore_mem>>)
      %dma_start3A_201 = arith.constant 384 : i32
      %dma_start3A_202 = arith.constant 0 : i32
      %dma_start3A_203 = tpu.memref_slice %arg14[%dma_start3A_201, %dma_start3A_202] : memref<400x64xf32, #tpu.memory_space<vmem>> -> memref<16x64xf32, #tpu.memory_space<vmem>>
      %dma_start3A_204 = arith.constant 384 : i32
      %dma_start3A_205 = tpu.memref_slice %arg11[%dma_start3A_204] : memref<400xi32, #tpu.memory_space<vmem>> -> memref<16xi32, #tpu.memory_space<vmem>>
      %dma_start3A_206 = arith.constant 0 : i32
      %dma_start3A_207 = arith.constant 0 : i32
      %dma_start3A_208 = tpu.memref_slice %arg2[%dma_start3A_206, %dma_start3A_207] : memref<50000x64xf32, #tpu.memory_space<hbm>> -> memref<50000x64xf32, #tpu.memory_space<hbm>>
      tpu.enqueue_indirect_dma source(%dma_start3A_208 : memref<50000x64xf32, #tpu.memory_space<hbm>>) target(%dma_start3A_203 : memref<16x64xf32, #tpu.memory_space<vmem>>) offsets(%dma_start3A_205 : memref<16xi32, #tpu.memory_space<vmem>>) semaphore(%arg16 : memref<!tpu.dma_semaphore, #tpu.memory_space<semaphore_mem>>)
      %dma_wait3A = arith.constant 0 : i32
      %dma_wait3A_209 = arith.constant 0 : i32
      %dma_wait3A_210 = tpu.memref_slice %arg14[%dma_wait3A, %dma_wait3A_209] : memref<400x64xf32, #tpu.memory_space<vmem>> -> memref<128x64xf32, #tpu.memory_space<vmem>>
      %dma_wait3A_211 = arith.constant 0 : i32
      %dma_wait3A_212 = tpu.memref_slice %arg11[%dma_wait3A_211] : memref<400xi32, #tpu.memory_space<vmem>> -> memref<128xi32, #tpu.memory_space<vmem>>
      %dma_wait3A_213 = arith.constant 0 : i32
      %dma_wait3A_214 = arith.constant 0 : i32
      %dma_wait3A_215 = tpu.memref_slice %arg2[%dma_wait3A_213, %dma_wait3A_214] : memref<50000x64xf32, #tpu.memory_space<hbm>> -> memref<50000x64xf32, #tpu.memory_space<hbm>>
      tpu.wait_indirect_dma semaphore(%arg16 : memref<!tpu.dma_semaphore, #tpu.memory_space<semaphore_mem>>) src(%dma_wait3A_215 : memref<50000x64xf32, #tpu.memory_space<hbm>>) dst(%dma_wait3A_210 : memref<128x64xf32, #tpu.memory_space<vmem>>)
      %dma_wait3A_216 = arith.constant 128 : i32
      %dma_wait3A_217 = arith.constant 0 : i32
      %dma_wait3A_218 = tpu.memref_slice %arg14[%dma_wait3A_216, %dma_wait3A_217] : memref<400x64xf32, #tpu.memory_space<vmem>> -> memref<128x64xf32, #tpu.memory_space<vmem>>
      %dma_wait3A_219 = arith.constant 128 : i32
      %dma_wait3A_220 = tpu.memref_slice %arg11[%dma_wait3A_219] : memref<400xi32, #tpu.memory_space<vmem>> -> memref<128xi32, #tpu.memory_space<vmem>>
      %dma_wait3A_221 = arith.constant 0 : i32
      %dma_wait3A_222 = arith.constant 0 : i32
      %dma_wait3A_223 = tpu.memref_slice %arg2[%dma_wait3A_221, %dma_wait3A_222] : memref<50000x64xf32, #tpu.memory_space<hbm>> -> memref<50000x64xf32, #tpu.memory_space<hbm>>
      tpu.wait_indirect_dma semaphore(%arg16 : memref<!tpu.dma_semaphore, #tpu.memory_space<semaphore_mem>>) src(%dma_wait3A_223 : memref<50000x64xf32, #tpu.memory_space<hbm>>) dst(%dma_wait3A_218 : memref<128x64xf32, #tpu.memory_space<vmem>>)
      %dma_wait3A_224 = arith.constant 256 : i32
      %dma_wait3A_225 = arith.constant 0 : i32
      %dma_wait3A_226 = tpu.memref_slice %arg14[%dma_wait3A_224, %dma_wait3A_225] : memref<400x64xf32, #tpu.memory_space<vmem>> -> memref<128x64xf32, #tpu.memory_space<vmem>>
      %dma_wait3A_227 = arith.constant 256 : i32
      %dma_wait3A_228 = tpu.memref_slice %arg11[%dma_wait3A_227] : memref<400xi32, #tpu.memory_space<vmem>> -> memref<128xi32, #tpu.memory_space<vmem>>
      %dma_wait3A_229 = arith.constant 0 : i32
      %dma_wait3A_230 = arith.constant 0 : i32
      %dma_wait3A_231 = tpu.memref_slice %arg2[%dma_wait3A_229, %dma_wait3A_230] : memref<50000x64xf32, #tpu.memory_space<hbm>> -> memref<50000x64xf32, #tpu.memory_space<hbm>>
      tpu.wait_indirect_dma semaphore(%arg16 : memref<!tpu.dma_semaphore, #tpu.memory_space<semaphore_mem>>) src(%dma_wait3A_231 : memref<50000x64xf32, #tpu.memory_space<hbm>>) dst(%dma_wait3A_226 : memref<128x64xf32, #tpu.memory_space<vmem>>)
      %dma_wait3A_232 = arith.constant 384 : i32
      %dma_wait3A_233 = arith.constant 0 : i32
      %dma_wait3A_234 = tpu.memref_slice %arg14[%dma_wait3A_232, %dma_wait3A_233] : memref<400x64xf32, #tpu.memory_space<vmem>> -> memref<16x64xf32, #tpu.memory_space<vmem>>
      %dma_wait3A_235 = arith.constant 384 : i32
      %dma_wait3A_236 = tpu.memref_slice %arg11[%dma_wait3A_235] : memref<400xi32, #tpu.memory_space<vmem>> -> memref<16xi32, #tpu.memory_space<vmem>>
      %dma_wait3A_237 = arith.constant 0 : i32
      %dma_wait3A_238 = arith.constant 0 : i32
      %dma_wait3A_239 = tpu.memref_slice %arg2[%dma_wait3A_237, %dma_wait3A_238] : memref<50000x64xf32, #tpu.memory_space<hbm>> -> memref<50000x64xf32, #tpu.memory_space<hbm>>
      tpu.wait_indirect_dma semaphore(%arg16 : memref<!tpu.dma_semaphore, #tpu.memory_space<semaphore_mem>>) src(%dma_wait3A_239 : memref<50000x64xf32, #tpu.memory_space<hbm>>) dst(%dma_wait3A_234 : memref<16x64xf32, #tpu.memory_space<vmem>>)
      %get3A = arith.constant 0 : index
      %get3A_240 = tpu.vector_load %arg12[%get3A] {strides = array<i32>} : memref<400xi32, #tpu.memory_space<vmem>>, vector<16xi32>,
      %get3A_241 = vector.shape_cast %get3A_240 : vector<16xi32> to vector<16xi32>
      %sub3A = vector.broadcast %mul3A_0 : i32 to vector<16xi32>
      %sub3A_242 = arith.subi %get3A_241, %sub3A : vector<16xi32>
      %ge3A = arith.constant 0 : i32
      %ge3A_243 = vector.broadcast %ge3A : i32 to vector<16xi32>
      %ge3A_244 = arith.cmpi sge, %sub3A_242, %ge3A_243 : vector<16xi32>
      %lt3A = arith.constant 25088 : i32
      %lt3A_245 = vector.broadcast %lt3A : i32 to vector<16xi32>
      %lt3A_246 = arith.cmpi slt, %sub3A_242, %lt3A_245 : vector<16xi32>
      %and3A = arith.andi %ge3A_244, %lt3A_246 : vector<16xi1>
      %jit3A = arith.constant 25088 : i32
      %broadcast_in_dim3A_247 = vector.broadcast %jit3A : i32 to vector<16xi32>
      %select_n3A = arith.select %and3A, %sub3A_242, %broadcast_in_dim3A_247 : vector<16xi1>, vector<16xi32>
      %swap3A_248 = arith.constant 0 : i32
      %swap3A_249 = arith.index_cast %swap3A_248 : i32 to index
      %swap3A_250 = arith.constant 0 : index
      %swap3A_251 = tpu.vector_load %arg13[%swap3A_249, %swap3A_250] {strides = array<i32>} : memref<5x80xi32, #tpu.memory_space<vmem>>, vector<1x16xi32>,
      %swap3A_252 = vector.shape_cast %swap3A_251 : vector<1x16xi32> to vector<16xi32>
      %swap3A_253 = vector.shape_cast %select_n3A : vector<16xi32> to vector<1x16xi32>
      tpu.vector_store %arg13[%swap3A_249, %swap3A_250], %swap3A_253 {strides = array<i32>} : memref<5x80xi32, #tpu.memory_space<vmem>>, vector<1x16xi32>,
      %get3A_254 = arith.constant 16 : index
      %get3A_255 = tpu.vector_load %arg12[%get3A_254] {strides = array<i32>} : memref<400xi32, #tpu.memory_space<vmem>>, vector<16xi32>,
      %get3A_256 = vector.shape_cast %get3A_255 : vector<16xi32> to vector<16xi32>
      %sub3A_257 = vector.broadcast %mul3A_0 : i32 to vector<16xi32>
      %sub3A_258 = arith.subi %get3A_256, %sub3A_257 : vector<16xi32>
      %ge3A_259 = arith.constant 0 : i32
      %ge3A_260 = vector.broadcast %ge3A_259 : i32 to vector<16xi32>
      %ge3A_261 = arith.cmpi sge, %sub3A_258, %ge3A_260 : vector<16xi32>
      %lt3A_262 = arith.constant 25088 : i32
      %lt3A_263 = vector.broadcast %lt3A_262 : i32 to vector<16xi32>
      %lt3A_264 = arith.cmpi slt, %sub3A_258, %lt3A_263 : vector<16xi32>
      %and3A_265 = arith.andi %ge3A_261, %lt3A_264 : vector<16xi1>
      %jit3A_266 = arith.constant 25088 : i32
      %broadcast_in_dim3A_267 = vector.broadcast %jit3A_266 : i32 to vector<16xi32>
      %select_n3A_268 = arith.select %and3A_265, %sub3A_258, %broadcast_in_dim3A_267 : vector<16xi1>, vector<16xi32>
      %swap3A_269 = arith.constant 0 : i32
      %swap3A_270 = arith.index_cast %swap3A_269 : i32 to index
      %swap3A_271 = arith.constant 16 : index
      %swap3A_272 = tpu.vector_load %arg13[%swap3A_270, %swap3A_271] {strides = array<i32>} : memref<5x80xi32, #tpu.memory_space<vmem>>, vector<1x16xi32>,
      %swap3A_273 = vector.shape_cast %swap3A_272 : vector<1x16xi32> to vector<16xi32>
      %swap3A_274 = vector.shape_cast %select_n3A_268 : vector<16xi32> to vector<1x16xi32>
      tpu.vector_store %arg13[%swap3A_270, %swap3A_271], %swap3A_274 {strides = array<i32>} : memref<5x80xi32, #tpu.memory_space<vmem>>, vector<1x16xi32>,
      %get3A_275 = arith.constant 32 : index
      %get3A_276 = tpu.vector_load %arg12[%get3A_275] {strides = array<i32>} : memref<400xi32, #tpu.memory_space<vmem>>, vector<16xi32>,
      %get3A_277 = vector.shape_cast %get3A_276 : vector<16xi32> to vector<16xi32>
      %sub3A_278 = vector.broadcast %mul3A_0 : i32 to vector<16xi32>
      %sub3A_279 = arith.subi %get3A_277, %sub3A_278 : vector<16xi32>
      %ge3A_280 = arith.constant 0 : i32
      %ge3A_281 = vector.broadcast %ge3A_280 : i32 to vector<16xi32>
      %ge3A_282 = arith.cmpi sge, %sub3A_279, %ge3A_281 : vector<16xi32>
      %lt3A_283 = arith.constant 25088 : i32
      %lt3A_284 = vector.broadcast %lt3A_283 : i32 to vector<16xi32>
      %lt3A_285 = arith.cmpi slt, %sub3A_279, %lt3A_284 : vector<16xi32>
      %and3A_286 = arith.andi %ge3A_282, %lt3A_285 : vector<16xi1>
      %jit3A_287 = arith.constant 25088 : i32
      %broadcast_in_dim3A_288 = vector.broadcast %jit3A_287 : i32 to vector<16xi32>
      %select_n3A_289 = arith.select %and3A_286, %sub3A_279, %broadcast_in_dim3A_288 : vector<16xi1>, vector<16xi32>
      %swap3A_290 = arith.constant 0 : i32
      %swap3A_291 = arith.index_cast %swap3A_290 : i32 to index
      %swap3A_292 = arith.constant 32 : index
      %swap3A_293 = tpu.vector_load %arg13[%swap3A_291, %swap3A_292] {strides = array<i32>} : memref<5x80xi32, #tpu.memory_space<vmem>>, vector<1x16xi32>,
      %swap3A_294 = vector.shape_cast %swap3A_293 : vector<1x16xi32> to vector<16xi32>
      %swap3A_295 = vector.shape_cast %select_n3A_289 : vector<16xi32> to vector<1x16xi32>
      tpu.vector_store %arg13[%swap3A_291, %swap3A_292], %swap3A_295 {strides = array<i32>} : memref<5x80xi32, #tpu.memory_space<vmem>>, vector<1x16xi32>,
      %get3A_296 = arith.constant 48 : index
      %get3A_297 = tpu.vector_load %arg12[%get3A_296] {strides = array<i32>} : memref<400xi32, #tpu.memory_space<vmem>>, vector<16xi32>,
      %get3A_298 = vector.shape_cast %get3A_297 : vector<16xi32> to vector<16xi32>
      %sub3A_299 = vector.broadcast %mul3A_0 : i32 to vector<16xi32>
      %sub3A_300 = arith.subi %get3A_298, %sub3A_299 : vector<16xi32>
      %ge3A_301 = arith.constant 0 : i32
      %ge3A_302 = vector.broadcast %ge3A_301 : i32 to vector<16xi32>
      %ge3A_303 = arith.cmpi sge, %sub3A_300, %ge3A_302 : vector<16xi32>
      %lt3A_304 = arith.constant 25088 : i32
      %lt3A_305 = vector.broadcast %lt3A_304 : i32 to vector<16xi32>
      %lt3A_306 = arith.cmpi slt, %sub3A_300, %lt3A_305 : vector<16xi32>
      %and3A_307 = arith.andi %ge3A_303, %lt3A_306 : vector<16xi1>
      %jit3A_308 = arith.constant 25088 : i32
      %broadcast_in_dim3A_309 = vector.broadcast %jit3A_308 : i32 to vector<16xi32>
      %select_n3A_310 = arith.select %and3A_307, %sub3A_300, %broadcast_in_dim3A_309 : vector<16xi1>, vector<16xi32>
      %swap3A_311 = arith.constant 0 : i32
      %swap3A_312 = arith.index_cast %swap3A_311 : i32 to index
      %swap3A_313 = arith.constant 48 : index
      %swap3A_314 = tpu.vector_load %arg13[%swap3A_312, %swap3A_313] {strides = array<i32>} : memref<5x80xi32, #tpu.memory_space<vmem>>, vector<1x16xi32>,
      %swap3A_315 = vector.shape_cast %swap3A_314 : vector<1x16xi32> to vector<16xi32>
      %swap3A_316 = vector.shape_cast %select_n3A_310 : vector<16xi32> to vector<1x16xi32>
      tpu.vector_store %arg13[%swap3A_312, %swap3A_313], %swap3A_316 {strides = array<i32>} : memref<5x80xi32, #tpu.memory_space<vmem>>, vector<1x16xi32>,
      %get3A_317 = arith.constant 64 : index
      %get3A_318 = tpu.vector_load %arg12[%get3A_317] {strides = array<i32>} : memref<400xi32, #tpu.memory_space<vmem>>, vector<16xi32>,
      %get3A_319 = vector.shape_cast %get3A_318 : vector<16xi32> to vector<16xi32>
      %sub3A_320 = vector.broadcast %mul3A_0 : i32 to vector<16xi32>
      %sub3A_321 = arith.subi %get3A_319, %sub3A_320 : vector<16xi32>
      %ge3A_322 = arith.constant 0 : i32
      %ge3A_323 = vector.broadcast %ge3A_322 : i32 to vector<16xi32>
      %ge3A_324 = arith.cmpi sge, %sub3A_321, %ge3A_323 : vector<16xi32>
      %lt3A_325 = arith.constant 25088 : i32
      %lt3A_326 = vector.broadcast %lt3A_325 : i32 to vector<16xi32>
      %lt3A_327 = arith.cmpi slt, %sub3A_321, %lt3A_326 : vector<16xi32>
      %and3A_328 = arith.andi %ge3A_324, %lt3A_327 : vector<16xi1>
      %jit3A_329 = arith.constant 25088 : i32
      %broadcast_in_dim3A_330 = vector.broadcast %jit3A_329 : i32 to vector<16xi32>
      %select_n3A_331 = arith.select %and3A_328, %sub3A_321, %broadcast_in_dim3A_330 : vector<16xi1>, vector<16xi32>
      %swap3A_332 = arith.constant 0 : i32
      %swap3A_333 = arith.index_cast %swap3A_332 : i32 to index
      %swap3A_334 = arith.constant 64 : index
      %swap3A_335 = tpu.vector_load %arg13[%swap3A_333, %swap3A_334] {strides = array<i32>} : memref<5x80xi32, #tpu.memory_space<vmem>>, vector<1x16xi32>,
      %swap3A_336 = vector.shape_cast %swap3A_335 : vector<1x16xi32> to vector<16xi32>
      %swap3A_337 = vector.shape_cast %select_n3A_331 : vector<16xi32> to vector<1x16xi32>
      tpu.vector_store %arg13[%swap3A_333, %swap3A_334], %swap3A_337 {strides = array<i32>} : memref<5x80xi32, #tpu.memory_space<vmem>>, vector<1x16xi32>,
      %get3A_338 = arith.constant 80 : index
      %get3A_339 = tpu.vector_load %arg12[%get3A_338] {strides = array<i32>} : memref<400xi32, #tpu.memory_space<vmem>>, vector<16xi32>,
      %get3A_340 = vector.shape_cast %get3A_339 : vector<16xi32> to vector<16xi32>
      %sub3A_341 = vector.broadcast %mul3A_0 : i32 to vector<16xi32>
      %sub3A_342 = arith.subi %get3A_340, %sub3A_341 : vector<16xi32>
      %ge3A_343 = arith.constant 0 : i32
      %ge3A_344 = vector.broadcast %ge3A_343 : i32 to vector<16xi32>
      %ge3A_345 = arith.cmpi sge, %sub3A_342, %ge3A_344 : vector<16xi32>
      %lt3A_346 = arith.constant 25088 : i32
      %lt3A_347 = vector.broadcast %lt3A_346 : i32 to vector<16xi32>
      %lt3A_348 = arith.cmpi slt, %sub3A_342, %lt3A_347 : vector<16xi32>
      %and3A_349 = arith.andi %ge3A_345, %lt3A_348 : vector<16xi1>
      %jit3A_350 = arith.constant 25088 : i32
      %broadcast_in_dim3A_351 = vector.broadcast %jit3A_350 : i32 to vector<16xi32>
      %select_n3A_352 = arith.select %and3A_349, %sub3A_342, %broadcast_in_dim3A_351 : vector<16xi1>, vector<16xi32>
      %swap3A_353 = arith.constant 1 : i32
      %swap3A_354 = arith.index_cast %swap3A_353 : i32 to index
      %swap3A_355 = arith.constant 0 : index
      %swap3A_356 = tpu.vector_load %arg13[%swap3A_354, %swap3A_355] {strides = array<i32>} : memref<5x80xi32, #tpu.memory_space<vmem>>, vector<1x16xi32>,
      %swap3A_357 = vector.shape_cast %swap3A_356 : vector<1x16xi32> to vector<16xi32>
      %swap3A_358 = vector.shape_cast %select_n3A_352 : vector<16xi32> to vector<1x16xi32>
      tpu.vector_store %arg13[%swap3A_354, %swap3A_355], %swap3A_358 {strides = array<i32>} : memref<5x80xi32, #tpu.memory_space<vmem>>, vector<1x16xi32>,
      %get3A_359 = arith.constant 96 : index
      %get3A_360 = tpu.vector_load %arg12[%get3A_359] {strides = array<i32>} : memref<400xi32, #tpu.memory_space<vmem>>, vector<16xi32>,
      %get3A_361 = vector.shape_cast %get3A_360 : vector<16xi32> to vector<16xi32>
      %sub3A_362 = vector.broadcast %mul3A_0 : i32 to vector<16xi32>
      %sub3A_363 = arith.subi %get3A_361, %sub3A_362 : vector<16xi32>
      %ge3A_364 = arith.constant 0 : i32
      %ge3A_365 = vector.broadcast %ge3A_364 : i32 to vector<16xi32>
      %ge3A_366 = arith.cmpi sge, %sub3A_363, %ge3A_365 : vector<16xi32>
      %lt3A_367 = arith.constant 25088 : i32
      %lt3A_368 = vector.broadcast %lt3A_367 : i32 to vector<16xi32>
      %lt3A_369 = arith.cmpi slt, %sub3A_363, %lt3A_368 : vector<16xi32>
      %and3A_370 = arith.andi %ge3A_366, %lt3A_369 : vector<16xi1>
      %jit3A_371 = arith.constant 25088 : i32
      %broadcast_in_dim3A_372 = vector.broadcast %jit3A_371 : i32 to vector<16xi32>
      %select_n3A_373 = arith.select %and3A_370, %sub3A_363, %broadcast_in_dim3A_372 : vector<16xi1>, vector<16xi32>
      %swap3A_374 = arith.constant 1 : i32
      %swap3A_375 = arith.index_cast %swap3A_374 : i32 to index
      %swap3A_376 = arith.constant 16 : index
      %swap3A_377 = tpu.vector_load %arg13[%swap3A_375, %swap3A_376] {strides = array<i32>} : memref<5x80xi32, #tpu.memory_space<vmem>>, vector<1x16xi32>,
      %swap3A_378 = vector.shape_cast %swap3A_377 : vector<1x16xi32> to vector<16xi32>
      %swap3A_379 = vector.shape_cast %select_n3A_373 : vector<16xi32> to vector<1x16xi32>
      tpu.vector_store %arg13[%swap3A_375, %swap3A_376], %swap3A_379 {strides = array<i32>} : memref<5x80xi32, #tpu.memory_space<vmem>>, vector<1x16xi32>,
      %get3A_380 = arith.constant 112 : index
      %get3A_381 = tpu.vector_load %arg12[%get3A_380] {strides = array<i32>} : memref<400xi32, #tpu.memory_space<vmem>>, vector<16xi32>,
      %get3A_382 = vector.shape_cast %get3A_381 : vector<16xi32> to vector<16xi32>
      %sub3A_383 = vector.broadcast %mul3A_0 : i32 to vector<16xi32>
      %sub3A_384 = arith.subi %get3A_382, %sub3A_383 : vector<16xi32>
      %ge3A_385 = arith.constant 0 : i32
      %ge3A_386 = vector.broadcast %ge3A_385 : i32 to vector<16xi32>
      %ge3A_387 = arith.cmpi sge, %sub3A_384, %ge3A_386 : vector<16xi32>
      %lt3A_388 = arith.constant 25088 : i32
      %lt3A_389 = vector.broadcast %lt3A_388 : i32 to vector<16xi32>
      %lt3A_390 = arith.cmpi slt, %sub3A_384, %lt3A_389 : vector<16xi32>
      %and3A_391 = arith.andi %ge3A_387, %lt3A_390 : vector<16xi1>
      %jit3A_392 = arith.constant 25088 : i32
      %broadcast_in_dim3A_393 = vector.broadcast %jit3A_392 : i32 to vector<16xi32>
      %select_n3A_394 = arith.select %and3A_391, %sub3A_384, %broadcast_in_dim3A_393 : vector<16xi1>, vector<16xi32>
      %swap3A_395 = arith.constant 1 : i32
      %swap3A_396 = arith.index_cast %swap3A_395 : i32 to index
      %swap3A_397 = arith.constant 32 : index
      %swap3A_398 = tpu.vector_load %arg13[%swap3A_396, %swap3A_397] {strides = array<i32>} : memref<5x80xi32, #tpu.memory_space<vmem>>, vector<1x16xi32>,
      %swap3A_399 = vector.shape_cast %swap3A_398 : vector<1x16xi32> to vector<16xi32>
      %swap3A_400 = vector.shape_cast %select_n3A_394 : vector<16xi32> to vector<1x16xi32>
      tpu.vector_store %arg13[%swap3A_396, %swap3A_397], %swap3A_400 {strides = array<i32>} : memref<5x80xi32, #tpu.memory_space<vmem>>, vector<1x16xi32>,
      %get3A_401 = arith.constant 128 : index
      %get3A_402 = tpu.vector_load %arg12[%get3A_401] {strides = array<i32>} : memref<400xi32, #tpu.memory_space<vmem>>, vector<16xi32>,
      %get3A_403 = vector.shape_cast %get3A_402 : vector<16xi32> to vector<16xi32>
      %sub3A_404 = vector.broadcast %mul3A_0 : i32 to vector<16xi32>
      %sub3A_405 = arith.subi %get3A_403, %sub3A_404 : vector<16xi32>
      %ge3A_406 = arith.constant 0 : i32
      %ge3A_407 = vector.broadcast %ge3A_406 : i32 to vector<16xi32>
      %ge3A_408 = arith.cmpi sge, %sub3A_405, %ge3A_407 : vector<16xi32>
      %lt3A_409 = arith.constant 25088 : i32
      %lt3A_410 = vector.broadcast %lt3A_409 : i32 to vector<16xi32>
      %lt3A_411 = arith.cmpi slt, %sub3A_405, %lt3A_410 : vector<16xi32>
      %and3A_412 = arith.andi %ge3A_408, %lt3A_411 : vector<16xi1>
      %jit3A_413 = arith.constant 25088 : i32
      %broadcast_in_dim3A_414 = vector.broadcast %jit3A_413 : i32 to vector<16xi32>
      %select_n3A_415 = arith.select %and3A_412, %sub3A_405, %broadcast_in_dim3A_414 : vector<16xi1>, vector<16xi32>
      %swap3A_416 = arith.constant 1 : i32
      %swap3A_417 = arith.index_cast %swap3A_416 : i32 to index
      %swap3A_418 = arith.constant 48 : index
      %swap3A_419 = tpu.vector_load %arg13[%swap3A_417, %swap3A_418] {strides = array<i32>} : memref<5x80xi32, #tpu.memory_space<vmem>>, vector<1x16xi32>,
      %swap3A_420 = vector.shape_cast %swap3A_419 : vector<1x16xi32> to vector<16xi32>
      %swap3A_421 = vector.shape_cast %select_n3A_415 : vector<16xi32> to vector<1x16xi32>
      tpu.vector_store %arg13[%swap3A_417, %swap3A_418], %swap3A_421 {strides = array<i32>} : memref<5x80xi32, #tpu.memory_space<vmem>>, vector<1x16xi32>,
      %get3A_422 = arith.constant 144 : index
      %get3A_423 = tpu.vector_load %arg12[%get3A_422] {strides = array<i32>} : memref<400xi32, #tpu.memory_space<vmem>>, vector<16xi32>,
      %get3A_424 = vector.shape_cast %get3A_423 : vector<16xi32> to vector<16xi32>
      %sub3A_425 = vector.broadcast %mul3A_0 : i32 to vector<16xi32>
      %sub3A_426 = arith.subi %get3A_424, %sub3A_425 : vector<16xi32>
      %ge3A_427 = arith.constant 0 : i32
      %ge3A_428 = vector.broadcast %ge3A_427 : i32 to vector<16xi32>
      %ge3A_429 = arith.cmpi sge, %sub3A_426, %ge3A_428 : vector<16xi32>
      %lt3A_430 = arith.constant 25088 : i32
      %lt3A_431 = vector.broadcast %lt3A_430 : i32 to vector<16xi32>
      %lt3A_432 = arith.cmpi slt, %sub3A_426, %lt3A_431 : vector<16xi32>
      %and3A_433 = arith.andi %ge3A_429, %lt3A_432 : vector<16xi1>
      %jit3A_434 = arith.constant 25088 : i32
      %broadcast_in_dim3A_435 = vector.broadcast %jit3A_434 : i32 to vector<16xi32>
      %select_n3A_436 = arith.select %and3A_433, %sub3A_426, %broadcast_in_dim3A_435 : vector<16xi1>, vector<16xi32>
      %swap3A_437 = arith.constant 1 : i32
      %swap3A_438 = arith.index_cast %swap3A_437 : i32 to index
      %swap3A_439 = arith.constant 64 : index
      %swap3A_440 = tpu.vector_load %arg13[%swap3A_438, %swap3A_439] {strides = array<i32>} : memref<5x80xi32, #tpu.memory_space<vmem>>, vector<1x16xi32>,
      %swap3A_441 = vector.shape_cast %swap3A_440 : vector<1x16xi32> to vector<16xi32>
      %swap3A_442 = vector.shape_cast %select_n3A_436 : vector<16xi32> to vector<1x16xi32>
      tpu.vector_store %arg13[%swap3A_438, %swap3A_439], %swap3A_442 {strides = array<i32>} : memref<5x80xi32, #tpu.memory_space<vmem>>, vector<1x16xi32>,
      %get3A_443 = arith.constant 160 : index
      %get3A_444 = tpu.vector_load %arg12[%get3A_443] {strides = array<i32>} : memref<400xi32, #tpu.memory_space<vmem>>, vector<16xi32>,
      %get3A_445 = vector.shape_cast %get3A_444 : vector<16xi32> to vector<16xi32>
      %sub3A_446 = vector.broadcast %mul3A_0 : i32 to vector<16xi32>
      %sub3A_447 = arith.subi %get3A_445, %sub3A_446 : vector<16xi32>
      %ge3A_448 = arith.constant 0 : i32
      %ge3A_449 = vector.broadcast %ge3A_448 : i32 to vector<16xi32>
      %ge3A_450 = arith.cmpi sge, %sub3A_447, %ge3A_449 : vector<16xi32>
      %lt3A_451 = arith.constant 25088 : i32
      %lt3A_452 = vector.broadcast %lt3A_451 : i32 to vector<16xi32>
      %lt3A_453 = arith.cmpi slt, %sub3A_447, %lt3A_452 : vector<16xi32>
      %and3A_454 = arith.andi %ge3A_450, %lt3A_453 : vector<16xi1>
      %jit3A_455 = arith.constant 25088 : i32
      %broadcast_in_dim3A_456 = vector.broadcast %jit3A_455 : i32 to vector<16xi32>
      %select_n3A_457 = arith.select %and3A_454, %sub3A_447, %broadcast_in_dim3A_456 : vector<16xi1>, vector<16xi32>
      %swap3A_458 = arith.constant 2 : i32
      %swap3A_459 = arith.index_cast %swap3A_458 : i32 to index
      %swap3A_460 = arith.constant 0 : index
      %swap3A_461 = tpu.vector_load %arg13[%swap3A_459, %swap3A_460] {strides = array<i32>} : memref<5x80xi32, #tpu.memory_space<vmem>>, vector<1x16xi32>,
      %swap3A_462 = vector.shape_cast %swap3A_461 : vector<1x16xi32> to vector<16xi32>
      %swap3A_463 = vector.shape_cast %select_n3A_457 : vector<16xi32> to vector<1x16xi32>
      tpu.vector_store %arg13[%swap3A_459, %swap3A_460], %swap3A_463 {strides = array<i32>} : memref<5x80xi32, #tpu.memory_space<vmem>>, vector<1x16xi32>,
      %get3A_464 = arith.constant 176 : index
      %get3A_465 = tpu.vector_load %arg12[%get3A_464] {strides = array<i32>} : memref<400xi32, #tpu.memory_space<vmem>>, vector<16xi32>,
      %get3A_466 = vector.shape_cast %get3A_465 : vector<16xi32> to vector<16xi32>
      %sub3A_467 = vector.broadcast %mul3A_0 : i32 to vector<16xi32>
      %sub3A_468 = arith.subi %get3A_466, %sub3A_467 : vector<16xi32>
      %ge3A_469 = arith.constant 0 : i32
      %ge3A_470 = vector.broadcast %ge3A_469 : i32 to vector<16xi32>
      %ge3A_471 = arith.cmpi sge, %sub3A_468, %ge3A_470 : vector<16xi32>
      %lt3A_472 = arith.constant 25088 : i32
      %lt3A_473 = vector.broadcast %lt3A_472 : i32 to vector<16xi32>
      %lt3A_474 = arith.cmpi slt, %sub3A_468, %lt3A_473 : vector<16xi32>
      %and3A_475 = arith.andi %ge3A_471, %lt3A_474 : vector<16xi1>
      %jit3A_476 = arith.constant 25088 : i32
      %broadcast_in_dim3A_477 = vector.broadcast %jit3A_476 : i32 to vector<16xi32>
      %select_n3A_478 = arith.select %and3A_475, %sub3A_468, %broadcast_in_dim3A_477 : vector<16xi1>, vector<16xi32>
      %swap3A_479 = arith.constant 2 : i32
      %swap3A_480 = arith.index_cast %swap3A_479 : i32 to index
      %swap3A_481 = arith.constant 16 : index
      %swap3A_482 = tpu.vector_load %arg13[%swap3A_480, %swap3A_481] {strides = array<i32>} : memref<5x80xi32, #tpu.memory_space<vmem>>, vector<1x16xi32>,
      %swap3A_483 = vector.shape_cast %swap3A_482 : vector<1x16xi32> to vector<16xi32>
      %swap3A_484 = vector.shape_cast %select_n3A_478 : vector<16xi32> to vector<1x16xi32>
      tpu.vector_store %arg13[%swap3A_480, %swap3A_481], %swap3A_484 {strides = array<i32>} : memref<5x80xi32, #tpu.memory_space<vmem>>, vector<1x16xi32>,
      %get3A_485 = arith.constant 192 : index
      %get3A_486 = tpu.vector_load %arg12[%get3A_485] {strides = array<i32>} : memref<400xi32, #tpu.memory_space<vmem>>, vector<16xi32>,
      %get3A_487 = vector.shape_cast %get3A_486 : vector<16xi32> to vector<16xi32>
      %sub3A_488 = vector.broadcast %mul3A_0 : i32 to vector<16xi32>
      %sub3A_489 = arith.subi %get3A_487, %sub3A_488 : vector<16xi32>
      %ge3A_490 = arith.constant 0 : i32
      %ge3A_491 = vector.broadcast %ge3A_490 : i32 to vector<16xi32>
      %ge3A_492 = arith.cmpi sge, %sub3A_489, %ge3A_491 : vector<16xi32>
      %lt3A_493 = arith.constant 25088 : i32
      %lt3A_494 = vector.broadcast %lt3A_493 : i32 to vector<16xi32>
      %lt3A_495 = arith.cmpi slt, %sub3A_489, %lt3A_494 : vector<16xi32>
      %and3A_496 = arith.andi %ge3A_492, %lt3A_495 : vector<16xi1>
      %jit3A_497 = arith.constant 25088 : i32
      %broadcast_in_dim3A_498 = vector.broadcast %jit3A_497 : i32 to vector<16xi32>
      %select_n3A_499 = arith.select %and3A_496, %sub3A_489, %broadcast_in_dim3A_498 : vector<16xi1>, vector<16xi32>
      %swap3A_500 = arith.constant 2 : i32
      %swap3A_501 = arith.index_cast %swap3A_500 : i32 to index
      %swap3A_502 = arith.constant 32 : index
      %swap3A_503 = tpu.vector_load %arg13[%swap3A_501, %swap3A_502] {strides = array<i32>} : memref<5x80xi32, #tpu.memory_space<vmem>>, vector<1x16xi32>,
      %swap3A_504 = vector.shape_cast %swap3A_503 : vector<1x16xi32> to vector<16xi32>
      %swap3A_505 = vector.shape_cast %select_n3A_499 : vector<16xi32> to vector<1x16xi32>
      tpu.vector_store %arg13[%swap3A_501, %swap3A_502], %swap3A_505 {strides = array<i32>} : memref<5x80xi32, #tpu.memory_space<vmem>>, vector<1x16xi32>,
      %get3A_506 = arith.constant 208 : index
      %get3A_507 = tpu.vector_load %arg12[%get3A_506] {strides = array<i32>} : memref<400xi32, #tpu.memory_space<vmem>>, vector<16xi32>,
      %get3A_508 = vector.shape_cast %get3A_507 : vector<16xi32> to vector<16xi32>
      %sub3A_509 = vector.broadcast %mul3A_0 : i32 to vector<16xi32>
      %sub3A_510 = arith.subi %get3A_508, %sub3A_509 : vector<16xi32>
      %ge3A_511 = arith.constant 0 : i32
      %ge3A_512 = vector.broadcast %ge3A_511 : i32 to vector<16xi32>
      %ge3A_513 = arith.cmpi sge, %sub3A_510, %ge3A_512 : vector<16xi32>
      %lt3A_514 = arith.constant 25088 : i32
      %lt3A_515 = vector.broadcast %lt3A_514 : i32 to vector<16xi32>
      %lt3A_516 = arith.cmpi slt, %sub3A_510, %lt3A_515 : vector<16xi32>
      %and3A_517 = arith.andi %ge3A_513, %lt3A_516 : vector<16xi1>
      %jit3A_518 = arith.constant 25088 : i32
      %broadcast_in_dim3A_519 = vector.broadcast %jit3A_518 : i32 to vector<16xi32>
      %select_n3A_520 = arith.select %and3A_517, %sub3A_510, %broadcast_in_dim3A_519 : vector<16xi1>, vector<16xi32>
      %swap3A_521 = arith.constant 2 : i32
      %swap3A_522 = arith.index_cast %swap3A_521 : i32 to index
      %swap3A_523 = arith.constant 48 : index
      %swap3A_524 = tpu.vector_load %arg13[%swap3A_522, %swap3A_523] {strides = array<i32>} : memref<5x80xi32, #tpu.memory_space<vmem>>, vector<1x16xi32>,
      %swap3A_525 = vector.shape_cast %swap3A_524 : vector<1x16xi32> to vector<16xi32>
      %swap3A_526 = vector.shape_cast %select_n3A_520 : vector<16xi32> to vector<1x16xi32>
      tpu.vector_store %arg13[%swap3A_522, %swap3A_523], %swap3A_526 {strides = array<i32>} : memref<5x80xi32, #tpu.memory_space<vmem>>, vector<1x16xi32>,
      %get3A_527 = arith.constant 224 : index
      %get3A_528 = tpu.vector_load %arg12[%get3A_527] {strides = array<i32>} : memref<400xi32, #tpu.memory_space<vmem>>, vector<16xi32>,
      %get3A_529 = vector.shape_cast %get3A_528 : vector<16xi32> to vector<16xi32>
      %sub3A_530 = vector.broadcast %mul3A_0 : i32 to vector<16xi32>
      %sub3A_531 = arith.subi %get3A_529, %sub3A_530 : vector<16xi32>
      %ge3A_532 = arith.constant 0 : i32
      %ge3A_533 = vector.broadcast %ge3A_532 : i32 to vector<16xi32>
      %ge3A_534 = arith.cmpi sge, %sub3A_531, %ge3A_533 : vector<16xi32>
      %lt3A_535 = arith.constant 25088 : i32
      %lt3A_536 = vector.broadcast %lt3A_535 : i32 to vector<16xi32>
      %lt3A_537 = arith.cmpi slt, %sub3A_531, %lt3A_536 : vector<16xi32>
      %and3A_538 = arith.andi %ge3A_534, %lt3A_537 : vector<16xi1>
      %jit3A_539 = arith.constant 25088 : i32
      %broadcast_in_dim3A_540 = vector.broadcast %jit3A_539 : i32 to vector<16xi32>
      %select_n3A_541 = arith.select %and3A_538, %sub3A_531, %broadcast_in_dim3A_540 : vector<16xi1>, vector<16xi32>
      %swap3A_542 = arith.constant 2 : i32
      %swap3A_543 = arith.index_cast %swap3A_542 : i32 to index
      %swap3A_544 = arith.constant 64 : index
      %swap3A_545 = tpu.vector_load %arg13[%swap3A_543, %swap3A_544] {strides = array<i32>} : memref<5x80xi32, #tpu.memory_space<vmem>>, vector<1x16xi32>,
      %swap3A_546 = vector.shape_cast %swap3A_545 : vector<1x16xi32> to vector<16xi32>
      %swap3A_547 = vector.shape_cast %select_n3A_541 : vector<16xi32> to vector<1x16xi32>
      tpu.vector_store %arg13[%swap3A_543, %swap3A_544], %swap3A_547 {strides = array<i32>} : memref<5x80xi32, #tpu.memory_space<vmem>>, vector<1x16xi32>,
      %get3A_548 = arith.constant 240 : index
      %get3A_549 = tpu.vector_load %arg12[%get3A_548] {strides = array<i32>} : memref<400xi32, #tpu.memory_space<vmem>>, vector<16xi32>,
      %get3A_550 = vector.shape_cast %get3A_549 : vector<16xi32> to vector<16xi32>
      %sub3A_551 = vector.broadcast %mul3A_0 : i32 to vector<16xi32>
      %sub3A_552 = arith.subi %get3A_550, %sub3A_551 : vector<16xi32>
      %ge3A_553 = arith.constant 0 : i32
      %ge3A_554 = vector.broadcast %ge3A_553 : i32 to vector<16xi32>
      %ge3A_555 = arith.cmpi sge, %sub3A_552, %ge3A_554 : vector<16xi32>
      %lt3A_556 = arith.constant 25088 : i32
      %lt3A_557 = vector.broadcast %lt3A_556 : i32 to vector<16xi32>
      %lt3A_558 = arith.cmpi slt, %sub3A_552, %lt3A_557 : vector<16xi32>
      %and3A_559 = arith.andi %ge3A_555, %lt3A_558 : vector<16xi1>
      %jit3A_560 = arith.constant 25088 : i32
      %broadcast_in_dim3A_561 = vector.broadcast %jit3A_560 : i32 to vector<16xi32>
      %select_n3A_562 = arith.select %and3A_559, %sub3A_552, %broadcast_in_dim3A_561 : vector<16xi1>, vector<16xi32>
      %swap3A_563 = arith.constant 3 : i32
      %swap3A_564 = arith.index_cast %swap3A_563 : i32 to index
      %swap3A_565 = arith.constant 0 : index
      %swap3A_566 = tpu.vector_load %arg13[%swap3A_564, %swap3A_565] {strides = array<i32>} : memref<5x80xi32, #tpu.memory_space<vmem>>, vector<1x16xi32>,
      %swap3A_567 = vector.shape_cast %swap3A_566 : vector<1x16xi32> to vector<16xi32>
      %swap3A_568 = vector.shape_cast %select_n3A_562 : vector<16xi32> to vector<1x16xi32>
      tpu.vector_store %arg13[%swap3A_564, %swap3A_565], %swap3A_568 {strides = array<i32>} : memref<5x80xi32, #tpu.memory_space<vmem>>, vector<1x16xi32>,
      %get3A_569 = arith.constant 256 : index
      %get3A_570 = tpu.vector_load %arg12[%get3A_569] {strides = array<i32>} : memref<400xi32, #tpu.memory_space<vmem>>, vector<16xi32>,
      %get3A_571 = vector.shape_cast %get3A_570 : vector<16xi32> to vector<16xi32>
      %sub3A_572 = vector.broadcast %mul3A_0 : i32 to vector<16xi32>
      %sub3A_573 = arith.subi %get3A_571, %sub3A_572 : vector<16xi32>
      %ge3A_574 = arith.constant 0 : i32
      %ge3A_575 = vector.broadcast %ge3A_574 : i32 to vector<16xi32>
      %ge3A_576 = arith.cmpi sge, %sub3A_573, %ge3A_575 : vector<16xi32>
      %lt3A_577 = arith.constant 25088 : i32
      %lt3A_578 = vector.broadcast %lt3A_577 : i32 to vector<16xi32>
      %lt3A_579 = arith.cmpi slt, %sub3A_573, %lt3A_578 : vector<16xi32>
      %and3A_580 = arith.andi %ge3A_576, %lt3A_579 : vector<16xi1>
      %jit3A_581 = arith.constant 25088 : i32
      %broadcast_in_dim3A_582 = vector.broadcast %jit3A_581 : i32 to vector<16xi32>
      %select_n3A_583 = arith.select %and3A_580, %sub3A_573, %broadcast_in_dim3A_582 : vector<16xi1>, vector<16xi32>
      %swap3A_584 = arith.constant 3 : i32
      %swap3A_585 = arith.index_cast %swap3A_584 : i32 to index
      %swap3A_586 = arith.constant 16 : index
      %swap3A_587 = tpu.vector_load %arg13[%swap3A_585, %swap3A_586] {strides = array<i32>} : memref<5x80xi32, #tpu.memory_space<vmem>>, vector<1x16xi32>,
      %swap3A_588 = vector.shape_cast %swap3A_587 : vector<1x16xi32> to vector<16xi32>
      %swap3A_589 = vector.shape_cast %select_n3A_583 : vector<16xi32> to vector<1x16xi32>
      tpu.vector_store %arg13[%swap3A_585, %swap3A_586], %swap3A_589 {strides = array<i32>} : memref<5x80xi32, #tpu.memory_space<vmem>>, vector<1x16xi32>,
      %get3A_590 = arith.constant 272 : index
      %get3A_591 = tpu.vector_load %arg12[%get3A_590] {strides = array<i32>} : memref<400xi32, #tpu.memory_space<vmem>>, vector<16xi32>,
      %get3A_592 = vector.shape_cast %get3A_591 : vector<16xi32> to vector<16xi32>
      %sub3A_593 = vector.broadcast %mul3A_0 : i32 to vector<16xi32>
      %sub3A_594 = arith.subi %get3A_592, %sub3A_593 : vector<16xi32>
      %ge3A_595 = arith.constant 0 : i32
      %ge3A_596 = vector.broadcast %ge3A_595 : i32 to vector<16xi32>
      %ge3A_597 = arith.cmpi sge, %sub3A_594, %ge3A_596 : vector<16xi32>
      %lt3A_598 = arith.constant 25088 : i32
      %lt3A_599 = vector.broadcast %lt3A_598 : i32 to vector<16xi32>
      %lt3A_600 = arith.cmpi slt, %sub3A_594, %lt3A_599 : vector<16xi32>
      %and3A_601 = arith.andi %ge3A_597, %lt3A_600 : vector<16xi1>
      %jit3A_602 = arith.constant 25088 : i32
      %broadcast_in_dim3A_603 = vector.broadcast %jit3A_602 : i32 to vector<16xi32>
      %select_n3A_604 = arith.select %and3A_601, %sub3A_594, %broadcast_in_dim3A_603 : vector<16xi1>, vector<16xi32>
      %swap3A_605 = arith.constant 3 : i32
      %swap3A_606 = arith.index_cast %swap3A_605 : i32 to index
      %swap3A_607 = arith.constant 32 : index
      %swap3A_608 = tpu.vector_load %arg13[%swap3A_606, %swap3A_607] {strides = array<i32>} : memref<5x80xi32, #tpu.memory_space<vmem>>, vector<1x16xi32>,
      %swap3A_609 = vector.shape_cast %swap3A_608 : vector<1x16xi32> to vector<16xi32>
      %swap3A_610 = vector.shape_cast %select_n3A_604 : vector<16xi32> to vector<1x16xi32>
      tpu.vector_store %arg13[%swap3A_606, %swap3A_607], %swap3A_610 {strides = array<i32>} : memref<5x80xi32, #tpu.memory_space<vmem>>, vector<1x16xi32>,
      %get3A_611 = arith.constant 288 : index
      %get3A_612 = tpu.vector_load %arg12[%get3A_611] {strides = array<i32>} : memref<400xi32, #tpu.memory_space<vmem>>, vector<16xi32>,
      %get3A_613 = vector.shape_cast %get3A_612 : vector<16xi32> to vector<16xi32>
      %sub3A_614 = vector.broadcast %mul3A_0 : i32 to vector<16xi32>
      %sub3A_615 = arith.subi %get3A_613, %sub3A_614 : vector<16xi32>
      %ge3A_616 = arith.constant 0 : i32
      %ge3A_617 = vector.broadcast %ge3A_616 : i32 to vector<16xi32>
      %ge3A_618 = arith.cmpi sge, %sub3A_615, %ge3A_617 : vector<16xi32>
      %lt3A_619 = arith.constant 25088 : i32
      %lt3A_620 = vector.broadcast %lt3A_619 : i32 to vector<16xi32>
      %lt3A_621 = arith.cmpi slt, %sub3A_615, %lt3A_620 : vector<16xi32>
      %and3A_622 = arith.andi %ge3A_618, %lt3A_621 : vector<16xi1>
      %jit3A_623 = arith.constant 25088 : i32
      %broadcast_in_dim3A_624 = vector.broadcast %jit3A_623 : i32 to vector<16xi32>
      %select_n3A_625 = arith.select %and3A_622, %sub3A_615, %broadcast_in_dim3A_624 : vector<16xi1>, vector<16xi32>
      %swap3A_626 = arith.constant 3 : i32
      %swap3A_627 = arith.index_cast %swap3A_626 : i32 to index
      %swap3A_628 = arith.constant 48 : index
      %swap3A_629 = tpu.vector_load %arg13[%swap3A_627, %swap3A_628] {strides = array<i32>} : memref<5x80xi32, #tpu.memory_space<vmem>>, vector<1x16xi32>,
      %swap3A_630 = vector.shape_cast %swap3A_629 : vector<1x16xi32> to vector<16xi32>
      %swap3A_631 = vector.shape_cast %select_n3A_625 : vector<16xi32> to vector<1x16xi32>
      tpu.vector_store %arg13[%swap3A_627, %swap3A_628], %swap3A_631 {strides = array<i32>} : memref<5x80xi32, #tpu.memory_space<vmem>>, vector<1x16xi32>,
      %get3A_632 = arith.constant 304 : index
      %get3A_633 = tpu.vector_load %arg12[%get3A_632] {strides = array<i32>} : memref<400xi32, #tpu.memory_space<vmem>>, vector<16xi32>,
      %get3A_634 = vector.shape_cast %get3A_633 : vector<16xi32> to vector<16xi32>
      %sub3A_635 = vector.broadcast %mul3A_0 : i32 to vector<16xi32>
      %sub3A_636 = arith.subi %get3A_634, %sub3A_635 : vector<16xi32>
      %ge3A_637 = arith.constant 0 : i32
      %ge3A_638 = vector.broadcast %ge3A_637 : i32 to vector<16xi32>
      %ge3A_639 = arith.cmpi sge, %sub3A_636, %ge3A_638 : vector<16xi32>
      %lt3A_640 = arith.constant 25088 : i32
      %lt3A_641 = vector.broadcast %lt3A_640 : i32 to vector<16xi32>
      %lt3A_642 = arith.cmpi slt, %sub3A_636, %lt3A_641 : vector<16xi32>
      %and3A_643 = arith.andi %ge3A_639, %lt3A_642 : vector<16xi1>
      %jit3A_644 = arith.constant 25088 : i32
      %broadcast_in_dim3A_645 = vector.broadcast %jit3A_644 : i32 to vector<16xi32>
      %select_n3A_646 = arith.select %and3A_643, %sub3A_636, %broadcast_in_dim3A_645 : vector<16xi1>, vector<16xi32>
      %swap3A_647 = arith.constant 3 : i32
      %swap3A_648 = arith.index_cast %swap3A_647 : i32 to index
      %swap3A_649 = arith.constant 64 : index
      %swap3A_650 = tpu.vector_load %arg13[%swap3A_648, %swap3A_649] {strides = array<i32>} : memref<5x80xi32, #tpu.memory_space<vmem>>, vector<1x16xi32>,
      %swap3A_651 = vector.shape_cast %swap3A_650 : vector<1x16xi32> to vector<16xi32>
      %swap3A_652 = vector.shape_cast %select_n3A_646 : vector<16xi32> to vector<1x16xi32>
      tpu.vector_store %arg13[%swap3A_648, %swap3A_649], %swap3A_652 {strides = array<i32>} : memref<5x80xi32, #tpu.memory_space<vmem>>, vector<1x16xi32>,
      %get3A_653 = arith.constant 320 : index
      %get3A_654 = tpu.vector_load %arg12[%get3A_653] {strides = array<i32>} : memref<400xi32, #tpu.memory_space<vmem>>, vector<16xi32>,
      %get3A_655 = vector.shape_cast %get3A_654 : vector<16xi32> to vector<16xi32>
      %sub3A_656 = vector.broadcast %mul3A_0 : i32 to vector<16xi32>
      %sub3A_657 = arith.subi %get3A_655, %sub3A_656 : vector<16xi32>
      %ge3A_658 = arith.constant 0 : i32
      %ge3A_659 = vector.broadcast %ge3A_658 : i32 to vector<16xi32>
      %ge3A_660 = arith.cmpi sge, %sub3A_657, %ge3A_659 : vector<16xi32>
      %lt3A_661 = arith.constant 25088 : i32
      %lt3A_662 = vector.broadcast %lt3A_661 : i32 to vector<16xi32>
      %lt3A_663 = arith.cmpi slt, %sub3A_657, %lt3A_662 : vector<16xi32>
      %and3A_664 = arith.andi %ge3A_660, %lt3A_663 : vector<16xi1>
      %jit3A_665 = arith.constant 25088 : i32
      %broadcast_in_dim3A_666 = vector.broadcast %jit3A_665 : i32 to vector<16xi32>
      %select_n3A_667 = arith.select %and3A_664, %sub3A_657, %broadcast_in_dim3A_666 : vector<16xi1>, vector<16xi32>
      %swap3A_668 = arith.constant 4 : i32
      %swap3A_669 = arith.index_cast %swap3A_668 : i32 to index
      %swap3A_670 = arith.constant 0 : index
      %swap3A_671 = tpu.vector_load %arg13[%swap3A_669, %swap3A_670] {strides = array<i32>} : memref<5x80xi32, #tpu.memory_space<vmem>>, vector<1x16xi32>,
      %swap3A_672 = vector.shape_cast %swap3A_671 : vector<1x16xi32> to vector<16xi32>
      %swap3A_673 = vector.shape_cast %select_n3A_667 : vector<16xi32> to vector<1x16xi32>
      tpu.vector_store %arg13[%swap3A_669, %swap3A_670], %swap3A_673 {strides = array<i32>} : memref<5x80xi32, #tpu.memory_space<vmem>>, vector<1x16xi32>,
      %get3A_674 = arith.constant 336 : index
      %get3A_675 = tpu.vector_load %arg12[%get3A_674] {strides = array<i32>} : memref<400xi32, #tpu.memory_space<vmem>>, vector<16xi32>,
      %get3A_676 = vector.shape_cast %get3A_675 : vector<16xi32> to vector<16xi32>
      %sub3A_677 = vector.broadcast %mul3A_0 : i32 to vector<16xi32>
      %sub3A_678 = arith.subi %get3A_676, %sub3A_677 : vector<16xi32>
      %ge3A_679 = arith.constant 0 : i32
      %ge3A_680 = vector.broadcast %ge3A_679 : i32 to vector<16xi32>
      %ge3A_681 = arith.cmpi sge, %sub3A_678, %ge3A_680 : vector<16xi32>
      %lt3A_682 = arith.constant 25088 : i32
      %lt3A_683 = vector.broadcast %lt3A_682 : i32 to vector<16xi32>
      %lt3A_684 = arith.cmpi slt, %sub3A_678, %lt3A_683 : vector<16xi32>
      %and3A_685 = arith.andi %ge3A_681, %lt3A_684 : vector<16xi1>
      %jit3A_686 = arith.constant 25088 : i32
      %broadcast_in_dim3A_687 = vector.broadcast %jit3A_686 : i32 to vector<16xi32>
      %select_n3A_688 = arith.select %and3A_685, %sub3A_678, %broadcast_in_dim3A_687 : vector<16xi1>, vector<16xi32>
      %swap3A_689 = arith.constant 4 : i32
      %swap3A_690 = arith.index_cast %swap3A_689 : i32 to index
      %swap3A_691 = arith.constant 16 : index
      %swap3A_692 = tpu.vector_load %arg13[%swap3A_690, %swap3A_691] {strides = array<i32>} : memref<5x80xi32, #tpu.memory_space<vmem>>, vector<1x16xi32>,
      %swap3A_693 = vector.shape_cast %swap3A_692 : vector<1x16xi32> to vector<16xi32>
      %swap3A_694 = vector.shape_cast %select_n3A_688 : vector<16xi32> to vector<1x16xi32>
      tpu.vector_store %arg13[%swap3A_690, %swap3A_691], %swap3A_694 {strides = array<i32>} : memref<5x80xi32, #tpu.memory_space<vmem>>, vector<1x16xi32>,
      %get3A_695 = arith.constant 352 : index
      %get3A_696 = tpu.vector_load %arg12[%get3A_695] {strides = array<i32>} : memref<400xi32, #tpu.memory_space<vmem>>, vector<16xi32>,
      %get3A_697 = vector.shape_cast %get3A_696 : vector<16xi32> to vector<16xi32>
      %sub3A_698 = vector.broadcast %mul3A_0 : i32 to vector<16xi32>
      %sub3A_699 = arith.subi %get3A_697, %sub3A_698 : vector<16xi32>
      %ge3A_700 = arith.constant 0 : i32
      %ge3A_701 = vector.broadcast %ge3A_700 : i32 to vector<16xi32>
      %ge3A_702 = arith.cmpi sge, %sub3A_699, %ge3A_701 : vector<16xi32>
      %lt3A_703 = arith.constant 25088 : i32
      %lt3A_704 = vector.broadcast %lt3A_703 : i32 to vector<16xi32>
      %lt3A_705 = arith.cmpi slt, %sub3A_699, %lt3A_704 : vector<16xi32>
      %and3A_706 = arith.andi %ge3A_702, %lt3A_705 : vector<16xi1>
      %jit3A_707 = arith.constant 25088 : i32
      %broadcast_in_dim3A_708 = vector.broadcast %jit3A_707 : i32 to vector<16xi32>
      %select_n3A_709 = arith.select %and3A_706, %sub3A_699, %broadcast_in_dim3A_708 : vector<16xi1>, vector<16xi32>
      %swap3A_710 = arith.constant 4 : i32
      %swap3A_711 = arith.index_cast %swap3A_710 : i32 to index
      %swap3A_712 = arith.constant 32 : index
      %swap3A_713 = tpu.vector_load %arg13[%swap3A_711, %swap3A_712] {strides = array<i32>} : memref<5x80xi32, #tpu.memory_space<vmem>>, vector<1x16xi32>,
      %swap3A_714 = vector.shape_cast %swap3A_713 : vector<1x16xi32> to vector<16xi32>
      %swap3A_715 = vector.shape_cast %select_n3A_709 : vector<16xi32> to vector<1x16xi32>
      tpu.vector_store %arg13[%swap3A_711, %swap3A_712], %swap3A_715 {strides = array<i32>} : memref<5x80xi32, #tpu.memory_space<vmem>>, vector<1x16xi32>,
      %get3A_716 = arith.constant 368 : index
      %get3A_717 = tpu.vector_load %arg12[%get3A_716] {strides = array<i32>} : memref<400xi32, #tpu.memory_space<vmem>>, vector<16xi32>,
      %get3A_718 = vector.shape_cast %get3A_717 : vector<16xi32> to vector<16xi32>
      %sub3A_719 = vector.broadcast %mul3A_0 : i32 to vector<16xi32>
      %sub3A_720 = arith.subi %get3A_718, %sub3A_719 : vector<16xi32>
      %ge3A_721 = arith.constant 0 : i32
      %ge3A_722 = vector.broadcast %ge3A_721 : i32 to vector<16xi32>
      %ge3A_723 = arith.cmpi sge, %sub3A_720, %ge3A_722 : vector<16xi32>
      %lt3A_724 = arith.constant 25088 : i32
      %lt3A_725 = vector.broadcast %lt3A_724 : i32 to vector<16xi32>
      %lt3A_726 = arith.cmpi slt, %sub3A_720, %lt3A_725 : vector<16xi32>
      %and3A_727 = arith.andi %ge3A_723, %lt3A_726 : vector<16xi1>
      %jit3A_728 = arith.constant 25088 : i32
      %broadcast_in_dim3A_729 = vector.broadcast %jit3A_728 : i32 to vector<16xi32>
      %select_n3A_730 = arith.select %and3A_727, %sub3A_720, %broadcast_in_dim3A_729 : vector<16xi1>, vector<16xi32>
      %swap3A_731 = arith.constant 4 : i32
      %swap3A_732 = arith.index_cast %swap3A_731 : i32 to index
      %swap3A_733 = arith.constant 48 : index
      %swap3A_734 = tpu.vector_load %arg13[%swap3A_732, %swap3A_733] {strides = array<i32>} : memref<5x80xi32, #tpu.memory_space<vmem>>, vector<1x16xi32>,
      %swap3A_735 = vector.shape_cast %swap3A_734 : vector<1x16xi32> to vector<16xi32>
      %swap3A_736 = vector.shape_cast %select_n3A_730 : vector<16xi32> to vector<1x16xi32>
      tpu.vector_store %arg13[%swap3A_732, %swap3A_733], %swap3A_736 {strides = array<i32>} : memref<5x80xi32, #tpu.memory_space<vmem>>, vector<1x16xi32>,
      %get3A_737 = arith.constant 384 : index
      %get3A_738 = tpu.vector_load %arg12[%get3A_737] {strides = array<i32>} : memref<400xi32, #tpu.memory_space<vmem>>, vector<16xi32>,
      %get3A_739 = vector.shape_cast %get3A_738 : vector<16xi32> to vector<16xi32>
      %sub3A_740 = vector.broadcast %mul3A_0 : i32 to vector<16xi32>
      %sub3A_741 = arith.subi %get3A_739, %sub3A_740 : vector<16xi32>
      %ge3A_742 = arith.constant 0 : i32
      %ge3A_743 = vector.broadcast %ge3A_742 : i32 to vector<16xi32>
      %ge3A_744 = arith.cmpi sge, %sub3A_741, %ge3A_743 : vector<16xi32>
      %lt3A_745 = arith.constant 25088 : i32
      %lt3A_746 = vector.broadcast %lt3A_745 : i32 to vector<16xi32>
      %lt3A_747 = arith.cmpi slt, %sub3A_741, %lt3A_746 : vector<16xi32>
      %and3A_748 = arith.andi %ge3A_744, %lt3A_747 : vector<16xi1>
      %jit3A_749 = arith.constant 25088 : i32
      %broadcast_in_dim3A_750 = vector.broadcast %jit3A_749 : i32 to vector<16xi32>
      %select_n3A_751 = arith.select %and3A_748, %sub3A_741, %broadcast_in_dim3A_750 : vector<16xi1>, vector<16xi32>
      %swap3A_752 = arith.constant 4 : i32
      %swap3A_753 = arith.index_cast %swap3A_752 : i32 to index
      %swap3A_754 = arith.constant 64 : index
      %swap3A_755 = tpu.vector_load %arg13[%swap3A_753, %swap3A_754] {strides = array<i32>} : memref<5x80xi32, #tpu.memory_space<vmem>>, vector<1x16xi32>,
      %swap3A_756 = vector.shape_cast %swap3A_755 : vector<1x16xi32> to vector<16xi32>
      %swap3A_757 = vector.shape_cast %select_n3A_751 : vector<16xi32> to vector<1x16xi32>
      tpu.vector_store %arg13[%swap3A_753, %swap3A_754], %swap3A_757 {strides = array<i32>} : memref<5x80xi32, #tpu.memory_space<vmem>>, vector<1x16xi32>,
      %run_scoped3A = arith.constant 0 : i32
      "tpu.region"() ({
        %run_scoped3A_767 = tpu.sem_alloc : memref<!tpu.dma_semaphore, #tpu.memory_space<semaphore_mem>>
        %dma_start3A_768 = arith.constant 0 : i32
        %dma_start3A_769 = arith.constant 0 : i32
        %dma_start3A_770 = tpu.memref_slice %arg14[%dma_start3A_768, %dma_start3A_769] : memref<400x64xf32, #tpu.memory_space<vmem>> -> memref<80x64xf32, #tpu.memory_space<vmem>>
        %dma_start3A_771 = arith.constant 0 : i32
        %dma_start3A_772 = tpu.memref_slice %arg13[%run_scoped3A, %dma_start3A_771] : memref<5x80xi32, #tpu.memory_space<vmem>> -> memref<1x80xi32, #tpu.memory_space<vmem>>
        %dma_start3A_773 = tpu.memref_squeeze %dma_start3A_772 : memref<1x80xi32, #tpu.memory_space<vmem>> -> memref<80xi32, #tpu.memory_space<vmem>>
        %dma_start3A_774 = arith.constant 0 : i32
        %dma_start3A_775 = arith.constant 0 : i32
        %dma_start3A_776 = tpu.memref_slice %arg9[%dma_start3A_774, %dma_start3A_775] : memref<25096x64xf32, #tpu.memory_space<vmem_shared>> -> memref<25096x64xf32, #tpu.memory_space<vmem_shared>>
        tpu.enqueue_indirect_dma source(%dma_start3A_770 : memref<80x64xf32, #tpu.memory_space<vmem>>) target(%dma_start3A_776 : memref<25096x64xf32, #tpu.memory_space<vmem_shared>>) offsets(%dma_start3A_773 : memref<80xi32, #tpu.memory_space<vmem>>) semaphore(%run_scoped3A_767 : memref<!tpu.dma_semaphore, #tpu.memory_space<semaphore_mem>>) {add = true}
        %dma_wait3A_777 = arith.constant 0 : i32
        %dma_wait3A_778 = arith.constant 0 : i32
        %dma_wait3A_779 = tpu.memref_slice %arg14[%dma_wait3A_777, %dma_wait3A_778] : memref<400x64xf32, #tpu.memory_space<vmem>> -> memref<80x64xf32, #tpu.memory_space<vmem>>
        %dma_wait3A_780 = arith.constant 0 : i32
        %dma_wait3A_781 = tpu.memref_slice %arg13[%run_scoped3A, %dma_wait3A_780] : memref<5x80xi32, #tpu.memory_space<vmem>> -> memref<1x80xi32, #tpu.memory_space<vmem>>
        %dma_wait3A_782 = tpu.memref_squeeze %dma_wait3A_781 : memref<1x80xi32, #tpu.memory_space<vmem>> -> memref<80xi32, #tpu.memory_space<vmem>>
        %dma_wait3A_783 = arith.constant 0 : i32
        %dma_wait3A_784 = arith.constant 0 : i32
        %dma_wait3A_785 = tpu.memref_slice %arg9[%dma_wait3A_783, %dma_wait3A_784] : memref<25096x64xf32, #tpu.memory_space<vmem_shared>> -> memref<25096x64xf32, #tpu.memory_space<vmem_shared>>
        tpu.wait_indirect_dma semaphore(%run_scoped3A_767 : memref<!tpu.dma_semaphore, #tpu.memory_space<semaphore_mem>>) src(%dma_wait3A_779 : memref<80x64xf32, #tpu.memory_space<vmem>>) dst(%dma_wait3A_785 : memref<25096x64xf32, #tpu.memory_space<vmem_shared>>)
        tpu.yield
      }) : () -> ()
      %run_scoped3A_758 = arith.constant 0 : i32
      "tpu.region"() ({
        %run_scoped3A_767 = tpu.sem_alloc : memref<!tpu.dma_semaphore, #tpu.memory_space<semaphore_mem>>
        %dma_start3A_768 = arith.constant 0 : i32
        %dma_start3A_769 = tpu.memref_slice %arg15[%dma_start3A_768] : memref<400xf32, #tpu.memory_space<vmem>> -> memref<80xf32, #tpu.memory_space<vmem>>
        %dma_start3A_770 = arith.constant 0 : i32
        %dma_start3A_771 = tpu.memref_slice %arg13[%run_scoped3A_758, %dma_start3A_770] : memref<5x80xi32, #tpu.memory_space<vmem>> -> memref<1x80xi32, #tpu.memory_space<vmem>>
        %dma_start3A_772 = tpu.memref_squeeze %dma_start3A_771 : memref<1x80xi32, #tpu.memory_space<vmem>> -> memref<80xi32, #tpu.memory_space<vmem>>
        %dma_start3A_773 = arith.constant 0 : i32
        %dma_start3A_774 = tpu.memref_slice %arg10[%dma_start3A_773] : memref<25096xf32, #tpu.memory_space<vmem_shared>> -> memref<25096xf32, #tpu.memory_space<vmem_shared>>
        tpu.enqueue_indirect_dma source(%dma_start3A_769 : memref<80xf32, #tpu.memory_space<vmem>>) target(%dma_start3A_774 : memref<25096xf32, #tpu.memory_space<vmem_shared>>) offsets(%dma_start3A_772 : memref<80xi32, #tpu.memory_space<vmem>>) semaphore(%run_scoped3A_767 : memref<!tpu.dma_semaphore, #tpu.memory_space<semaphore_mem>>) {add = true}
        %dma_wait3A_775 = arith.constant 0 : i32
        %dma_wait3A_776 = tpu.memref_slice %arg15[%dma_wait3A_775] : memref<400xf32, #tpu.memory_space<vmem>> -> memref<80xf32, #tpu.memory_space<vmem>>
        %dma_wait3A_777 = arith.constant 0 : i32
        %dma_wait3A_778 = tpu.memref_slice %arg13[%run_scoped3A_758, %dma_wait3A_777] : memref<5x80xi32, #tpu.memory_space<vmem>> -> memref<1x80xi32, #tpu.memory_space<vmem>>
        %dma_wait3A_779 = tpu.memref_squeeze %dma_wait3A_778 : memref<1x80xi32, #tpu.memory_space<vmem>> -> memref<80xi32, #tpu.memory_space<vmem>>
        %dma_wait3A_780 = arith.constant 0 : i32
        %dma_wait3A_781 = tpu.memref_slice %arg10[%dma_wait3A_780] : memref<25096xf32, #tpu.memory_space<vmem_shared>> -> memref<25096xf32, #tpu.memory_space<vmem_shared>>
        tpu.wait_indirect_dma semaphore(%run_scoped3A_767 : memref<!tpu.dma_semaphore, #tpu.memory_space<semaphore_mem>>) src(%dma_wait3A_776 : memref<80xf32, #tpu.memory_space<vmem>>) dst(%dma_wait3A_781 : memref<25096xf32, #tpu.memory_space<vmem_shared>>)
        tpu.yield
      }) : () -> ()
      %run_scoped3A_759 = arith.constant 1 : i32
      "tpu.region"() ({
        %run_scoped3A_767 = tpu.sem_alloc : memref<!tpu.dma_semaphore, #tpu.memory_space<semaphore_mem>>
        %dma_start3A_768 = arith.constant 80 : i32
        %dma_start3A_769 = arith.constant 0 : i32
        %dma_start3A_770 = tpu.memref_slice %arg14[%dma_start3A_768, %dma_start3A_769] : memref<400x64xf32, #tpu.memory_space<vmem>> -> memref<80x64xf32, #tpu.memory_space<vmem>>
        %dma_start3A_771 = arith.constant 0 : i32
        %dma_start3A_772 = tpu.memref_slice %arg13[%run_scoped3A_759, %dma_start3A_771] : memref<5x80xi32, #tpu.memory_space<vmem>> -> memref<1x80xi32, #tpu.memory_space<vmem>>
        %dma_start3A_773 = tpu.memref_squeeze %dma_start3A_772 : memref<1x80xi32, #tpu.memory_space<vmem>> -> memref<80xi32, #tpu.memory_space<vmem>>
        %dma_start3A_774 = arith.constant 0 : i32
        %dma_start3A_775 = arith.constant 0 : i32
        %dma_start3A_776 = tpu.memref_slice %arg9[%dma_start3A_774, %dma_start3A_775] : memref<25096x64xf32, #tpu.memory_space<vmem_shared>> -> memref<25096x64xf32, #tpu.memory_space<vmem_shared>>
        tpu.enqueue_indirect_dma source(%dma_start3A_770 : memref<80x64xf32, #tpu.memory_space<vmem>>) target(%dma_start3A_776 : memref<25096x64xf32, #tpu.memory_space<vmem_shared>>) offsets(%dma_start3A_773 : memref<80xi32, #tpu.memory_space<vmem>>) semaphore(%run_scoped3A_767 : memref<!tpu.dma_semaphore, #tpu.memory_space<semaphore_mem>>) {add = true}
        %dma_wait3A_777 = arith.constant 80 : i32
        %dma_wait3A_778 = arith.constant 0 : i32
        %dma_wait3A_779 = tpu.memref_slice %arg14[%dma_wait3A_777, %dma_wait3A_778] : memref<400x64xf32, #tpu.memory_space<vmem>> -> memref<80x64xf32, #tpu.memory_space<vmem>>
        %dma_wait3A_780 = arith.constant 0 : i32
        %dma_wait3A_781 = tpu.memref_slice %arg13[%run_scoped3A_759, %dma_wait3A_780] : memref<5x80xi32, #tpu.memory_space<vmem>> -> memref<1x80xi32, #tpu.memory_space<vmem>>
        %dma_wait3A_782 = tpu.memref_squeeze %dma_wait3A_781 : memref<1x80xi32, #tpu.memory_space<vmem>> -> memref<80xi32, #tpu.memory_space<vmem>>
        %dma_wait3A_783 = arith.constant 0 : i32
        %dma_wait3A_784 = arith.constant 0 : i32
        %dma_wait3A_785 = tpu.memref_slice %arg9[%dma_wait3A_783, %dma_wait3A_784] : memref<25096x64xf32, #tpu.memory_space<vmem_shared>> -> memref<25096x64xf32, #tpu.memory_space<vmem_shared>>
        tpu.wait_indirect_dma semaphore(%run_scoped3A_767 : memref<!tpu.dma_semaphore, #tpu.memory_space<semaphore_mem>>) src(%dma_wait3A_779 : memref<80x64xf32, #tpu.memory_space<vmem>>) dst(%dma_wait3A_785 : memref<25096x64xf32, #tpu.memory_space<vmem_shared>>)
        tpu.yield
      }) : () -> ()
      %run_scoped3A_760 = arith.constant 1 : i32
      "tpu.region"() ({
        %run_scoped3A_767 = tpu.sem_alloc : memref<!tpu.dma_semaphore, #tpu.memory_space<semaphore_mem>>
        %dma_start3A_768 = arith.constant 80 : i32
        %dma_start3A_769 = tpu.memref_slice %arg15[%dma_start3A_768] : memref<400xf32, #tpu.memory_space<vmem>> -> memref<80xf32, #tpu.memory_space<vmem>>
        %dma_start3A_770 = arith.constant 0 : i32
        %dma_start3A_771 = tpu.memref_slice %arg13[%run_scoped3A_760, %dma_start3A_770] : memref<5x80xi32, #tpu.memory_space<vmem>> -> memref<1x80xi32, #tpu.memory_space<vmem>>
        %dma_start3A_772 = tpu.memref_squeeze %dma_start3A_771 : memref<1x80xi32, #tpu.memory_space<vmem>> -> memref<80xi32, #tpu.memory_space<vmem>>
        %dma_start3A_773 = arith.constant 0 : i32
        %dma_start3A_774 = tpu.memref_slice %arg10[%dma_start3A_773] : memref<25096xf32, #tpu.memory_space<vmem_shared>> -> memref<25096xf32, #tpu.memory_space<vmem_shared>>
        tpu.enqueue_indirect_dma source(%dma_start3A_769 : memref<80xf32, #tpu.memory_space<vmem>>) target(%dma_start3A_774 : memref<25096xf32, #tpu.memory_space<vmem_shared>>) offsets(%dma_start3A_772 : memref<80xi32, #tpu.memory_space<vmem>>) semaphore(%run_scoped3A_767 : memref<!tpu.dma_semaphore, #tpu.memory_space<semaphore_mem>>) {add = true}
        %dma_wait3A_775 = arith.constant 80 : i32
        %dma_wait3A_776 = tpu.memref_slice %arg15[%dma_wait3A_775] : memref<400xf32, #tpu.memory_space<vmem>> -> memref<80xf32, #tpu.memory_space<vmem>>
        %dma_wait3A_777 = arith.constant 0 : i32
        %dma_wait3A_778 = tpu.memref_slice %arg13[%run_scoped3A_760, %dma_wait3A_777] : memref<5x80xi32, #tpu.memory_space<vmem>> -> memref<1x80xi32, #tpu.memory_space<vmem>>
        %dma_wait3A_779 = tpu.memref_squeeze %dma_wait3A_778 : memref<1x80xi32, #tpu.memory_space<vmem>> -> memref<80xi32, #tpu.memory_space<vmem>>
        %dma_wait3A_780 = arith.constant 0 : i32
        %dma_wait3A_781 = tpu.memref_slice %arg10[%dma_wait3A_780] : memref<25096xf32, #tpu.memory_space<vmem_shared>> -> memref<25096xf32, #tpu.memory_space<vmem_shared>>
        tpu.wait_indirect_dma semaphore(%run_scoped3A_767 : memref<!tpu.dma_semaphore, #tpu.memory_space<semaphore_mem>>) src(%dma_wait3A_776 : memref<80xf32, #tpu.memory_space<vmem>>) dst(%dma_wait3A_781 : memref<25096xf32, #tpu.memory_space<vmem_shared>>)
        tpu.yield
      }) : () -> ()
      %run_scoped3A_761 = arith.constant 2 : i32
      "tpu.region"() ({
        %run_scoped3A_767 = tpu.sem_alloc : memref<!tpu.dma_semaphore, #tpu.memory_space<semaphore_mem>>
        %dma_start3A_768 = arith.constant 160 : i32
        %dma_start3A_769 = arith.constant 0 : i32
        %dma_start3A_770 = tpu.memref_slice %arg14[%dma_start3A_768, %dma_start3A_769] : memref<400x64xf32, #tpu.memory_space<vmem>> -> memref<80x64xf32, #tpu.memory_space<vmem>>
        %dma_start3A_771 = arith.constant 0 : i32
        %dma_start3A_772 = tpu.memref_slice %arg13[%run_scoped3A_761, %dma_start3A_771] : memref<5x80xi32, #tpu.memory_space<vmem>> -> memref<1x80xi32, #tpu.memory_space<vmem>>
        %dma_start3A_773 = tpu.memref_squeeze %dma_start3A_772 : memref<1x80xi32, #tpu.memory_space<vmem>> -> memref<80xi32, #tpu.memory_space<vmem>>
        %dma_start3A_774 = arith.constant 0 : i32
        %dma_start3A_775 = arith.constant 0 : i32
        %dma_start3A_776 = tpu.memref_slice %arg9[%dma_start3A_774, %dma_start3A_775] : memref<25096x64xf32, #tpu.memory_space<vmem_shared>> -> memref<25096x64xf32, #tpu.memory_space<vmem_shared>>
        tpu.enqueue_indirect_dma source(%dma_start3A_770 : memref<80x64xf32, #tpu.memory_space<vmem>>) target(%dma_start3A_776 : memref<25096x64xf32, #tpu.memory_space<vmem_shared>>) offsets(%dma_start3A_773 : memref<80xi32, #tpu.memory_space<vmem>>) semaphore(%run_scoped3A_767 : memref<!tpu.dma_semaphore, #tpu.memory_space<semaphore_mem>>) {add = true}
        %dma_wait3A_777 = arith.constant 160 : i32
        %dma_wait3A_778 = arith.constant 0 : i32
        %dma_wait3A_779 = tpu.memref_slice %arg14[%dma_wait3A_777, %dma_wait3A_778] : memref<400x64xf32, #tpu.memory_space<vmem>> -> memref<80x64xf32, #tpu.memory_space<vmem>>
        %dma_wait3A_780 = arith.constant 0 : i32
        %dma_wait3A_781 = tpu.memref_slice %arg13[%run_scoped3A_761, %dma_wait3A_780] : memref<5x80xi32, #tpu.memory_space<vmem>> -> memref<1x80xi32, #tpu.memory_space<vmem>>
        %dma_wait3A_782 = tpu.memref_squeeze %dma_wait3A_781 : memref<1x80xi32, #tpu.memory_space<vmem>> -> memref<80xi32, #tpu.memory_space<vmem>>
        %dma_wait3A_783 = arith.constant 0 : i32
        %dma_wait3A_784 = arith.constant 0 : i32
        %dma_wait3A_785 = tpu.memref_slice %arg9[%dma_wait3A_783, %dma_wait3A_784] : memref<25096x64xf32, #tpu.memory_space<vmem_shared>> -> memref<25096x64xf32, #tpu.memory_space<vmem_shared>>
        tpu.wait_indirect_dma semaphore(%run_scoped3A_767 : memref<!tpu.dma_semaphore, #tpu.memory_space<semaphore_mem>>) src(%dma_wait3A_779 : memref<80x64xf32, #tpu.memory_space<vmem>>) dst(%dma_wait3A_785 : memref<25096x64xf32, #tpu.memory_space<vmem_shared>>)
        tpu.yield
      }) : () -> ()
      %run_scoped3A_762 = arith.constant 2 : i32
      "tpu.region"() ({
        %run_scoped3A_767 = tpu.sem_alloc : memref<!tpu.dma_semaphore, #tpu.memory_space<semaphore_mem>>
        %dma_start3A_768 = arith.constant 160 : i32
        %dma_start3A_769 = tpu.memref_slice %arg15[%dma_start3A_768] : memref<400xf32, #tpu.memory_space<vmem>> -> memref<80xf32, #tpu.memory_space<vmem>>
        %dma_start3A_770 = arith.constant 0 : i32
        %dma_start3A_771 = tpu.memref_slice %arg13[%run_scoped3A_762, %dma_start3A_770] : memref<5x80xi32, #tpu.memory_space<vmem>> -> memref<1x80xi32, #tpu.memory_space<vmem>>
        %dma_start3A_772 = tpu.memref_squeeze %dma_start3A_771 : memref<1x80xi32, #tpu.memory_space<vmem>> -> memref<80xi32, #tpu.memory_space<vmem>>
        %dma_start3A_773 = arith.constant 0 : i32
        %dma_start3A_774 = tpu.memref_slice %arg10[%dma_start3A_773] : memref<25096xf32, #tpu.memory_space<vmem_shared>> -> memref<25096xf32, #tpu.memory_space<vmem_shared>>
        tpu.enqueue_indirect_dma source(%dma_start3A_769 : memref<80xf32, #tpu.memory_space<vmem>>) target(%dma_start3A_774 : memref<25096xf32, #tpu.memory_space<vmem_shared>>) offsets(%dma_start3A_772 : memref<80xi32, #tpu.memory_space<vmem>>) semaphore(%run_scoped3A_767 : memref<!tpu.dma_semaphore, #tpu.memory_space<semaphore_mem>>) {add = true}
        %dma_wait3A_775 = arith.constant 160 : i32
        %dma_wait3A_776 = tpu.memref_slice %arg15[%dma_wait3A_775] : memref<400xf32, #tpu.memory_space<vmem>> -> memref<80xf32, #tpu.memory_space<vmem>>
        %dma_wait3A_777 = arith.constant 0 : i32
        %dma_wait3A_778 = tpu.memref_slice %arg13[%run_scoped3A_762, %dma_wait3A_777] : memref<5x80xi32, #tpu.memory_space<vmem>> -> memref<1x80xi32, #tpu.memory_space<vmem>>
        %dma_wait3A_779 = tpu.memref_squeeze %dma_wait3A_778 : memref<1x80xi32, #tpu.memory_space<vmem>> -> memref<80xi32, #tpu.memory_space<vmem>>
        %dma_wait3A_780 = arith.constant 0 : i32
        %dma_wait3A_781 = tpu.memref_slice %arg10[%dma_wait3A_780] : memref<25096xf32, #tpu.memory_space<vmem_shared>> -> memref<25096xf32, #tpu.memory_space<vmem_shared>>
        tpu.wait_indirect_dma semaphore(%run_scoped3A_767 : memref<!tpu.dma_semaphore, #tpu.memory_space<semaphore_mem>>) src(%dma_wait3A_776 : memref<80xf32, #tpu.memory_space<vmem>>) dst(%dma_wait3A_781 : memref<25096xf32, #tpu.memory_space<vmem_shared>>)
        tpu.yield
      }) : () -> ()
      %run_scoped3A_763 = arith.constant 3 : i32
      "tpu.region"() ({
        %run_scoped3A_767 = tpu.sem_alloc : memref<!tpu.dma_semaphore, #tpu.memory_space<semaphore_mem>>
        %dma_start3A_768 = arith.constant 240 : i32
        %dma_start3A_769 = arith.constant 0 : i32
        %dma_start3A_770 = tpu.memref_slice %arg14[%dma_start3A_768, %dma_start3A_769] : memref<400x64xf32, #tpu.memory_space<vmem>> -> memref<80x64xf32, #tpu.memory_space<vmem>>
        %dma_start3A_771 = arith.constant 0 : i32
        %dma_start3A_772 = tpu.memref_slice %arg13[%run_scoped3A_763, %dma_start3A_771] : memref<5x80xi32, #tpu.memory_space<vmem>> -> memref<1x80xi32, #tpu.memory_space<vmem>>
        %dma_start3A_773 = tpu.memref_squeeze %dma_start3A_772 : memref<1x80xi32, #tpu.memory_space<vmem>> -> memref<80xi32, #tpu.memory_space<vmem>>
        %dma_start3A_774 = arith.constant 0 : i32
        %dma_start3A_775 = arith.constant 0 : i32
        %dma_start3A_776 = tpu.memref_slice %arg9[%dma_start3A_774, %dma_start3A_775] : memref<25096x64xf32, #tpu.memory_space<vmem_shared>> -> memref<25096x64xf32, #tpu.memory_space<vmem_shared>>
        tpu.enqueue_indirect_dma source(%dma_start3A_770 : memref<80x64xf32, #tpu.memory_space<vmem>>) target(%dma_start3A_776 : memref<25096x64xf32, #tpu.memory_space<vmem_shared>>) offsets(%dma_start3A_773 : memref<80xi32, #tpu.memory_space<vmem>>) semaphore(%run_scoped3A_767 : memref<!tpu.dma_semaphore, #tpu.memory_space<semaphore_mem>>) {add = true}
        %dma_wait3A_777 = arith.constant 240 : i32
        %dma_wait3A_778 = arith.constant 0 : i32
        %dma_wait3A_779 = tpu.memref_slice %arg14[%dma_wait3A_777, %dma_wait3A_778] : memref<400x64xf32, #tpu.memory_space<vmem>> -> memref<80x64xf32, #tpu.memory_space<vmem>>
        %dma_wait3A_780 = arith.constant 0 : i32
        %dma_wait3A_781 = tpu.memref_slice %arg13[%run_scoped3A_763, %dma_wait3A_780] : memref<5x80xi32, #tpu.memory_space<vmem>> -> memref<1x80xi32, #tpu.memory_space<vmem>>
        %dma_wait3A_782 = tpu.memref_squeeze %dma_wait3A_781 : memref<1x80xi32, #tpu.memory_space<vmem>> -> memref<80xi32, #tpu.memory_space<vmem>>
        %dma_wait3A_783 = arith.constant 0 : i32
        %dma_wait3A_784 = arith.constant 0 : i32
        %dma_wait3A_785 = tpu.memref_slice %arg9[%dma_wait3A_783, %dma_wait3A_784] : memref<25096x64xf32, #tpu.memory_space<vmem_shared>> -> memref<25096x64xf32, #tpu.memory_space<vmem_shared>>
        tpu.wait_indirect_dma semaphore(%run_scoped3A_767 : memref<!tpu.dma_semaphore, #tpu.memory_space<semaphore_mem>>) src(%dma_wait3A_779 : memref<80x64xf32, #tpu.memory_space<vmem>>) dst(%dma_wait3A_785 : memref<25096x64xf32, #tpu.memory_space<vmem_shared>>)
        tpu.yield
      }) : () -> ()
      %run_scoped3A_764 = arith.constant 3 : i32
      "tpu.region"() ({
        %run_scoped3A_767 = tpu.sem_alloc : memref<!tpu.dma_semaphore, #tpu.memory_space<semaphore_mem>>
        %dma_start3A_768 = arith.constant 240 : i32
        %dma_start3A_769 = tpu.memref_slice %arg15[%dma_start3A_768] : memref<400xf32, #tpu.memory_space<vmem>> -> memref<80xf32, #tpu.memory_space<vmem>>
        %dma_start3A_770 = arith.constant 0 : i32
        %dma_start3A_771 = tpu.memref_slice %arg13[%run_scoped3A_764, %dma_start3A_770] : memref<5x80xi32, #tpu.memory_space<vmem>> -> memref<1x80xi32, #tpu.memory_space<vmem>>
        %dma_start3A_772 = tpu.memref_squeeze %dma_start3A_771 : memref<1x80xi32, #tpu.memory_space<vmem>> -> memref<80xi32, #tpu.memory_space<vmem>>
        %dma_start3A_773 = arith.constant 0 : i32
        %dma_start3A_774 = tpu.memref_slice %arg10[%dma_start3A_773] : memref<25096xf32, #tpu.memory_space<vmem_shared>> -> memref<25096xf32, #tpu.memory_space<vmem_shared>>
        tpu.enqueue_indirect_dma source(%dma_start3A_769 : memref<80xf32, #tpu.memory_space<vmem>>) target(%dma_start3A_774 : memref<25096xf32, #tpu.memory_space<vmem_shared>>) offsets(%dma_start3A_772 : memref<80xi32, #tpu.memory_space<vmem>>) semaphore(%run_scoped3A_767 : memref<!tpu.dma_semaphore, #tpu.memory_space<semaphore_mem>>) {add = true}
        %dma_wait3A_775 = arith.constant 240 : i32
        %dma_wait3A_776 = tpu.memref_slice %arg15[%dma_wait3A_775] : memref<400xf32, #tpu.memory_space<vmem>> -> memref<80xf32, #tpu.memory_space<vmem>>
        %dma_wait3A_777 = arith.constant 0 : i32
        %dma_wait3A_778 = tpu.memref_slice %arg13[%run_scoped3A_764, %dma_wait3A_777] : memref<5x80xi32, #tpu.memory_space<vmem>> -> memref<1x80xi32, #tpu.memory_space<vmem>>
        %dma_wait3A_779 = tpu.memref_squeeze %dma_wait3A_778 : memref<1x80xi32, #tpu.memory_space<vmem>> -> memref<80xi32, #tpu.memory_space<vmem>>
        %dma_wait3A_780 = arith.constant 0 : i32
        %dma_wait3A_781 = tpu.memref_slice %arg10[%dma_wait3A_780] : memref<25096xf32, #tpu.memory_space<vmem_shared>> -> memref<25096xf32, #tpu.memory_space<vmem_shared>>
        tpu.wait_indirect_dma semaphore(%run_scoped3A_767 : memref<!tpu.dma_semaphore, #tpu.memory_space<semaphore_mem>>) src(%dma_wait3A_776 : memref<80xf32, #tpu.memory_space<vmem>>) dst(%dma_wait3A_781 : memref<25096xf32, #tpu.memory_space<vmem_shared>>)
        tpu.yield
      }) : () -> ()
      %run_scoped3A_765 = arith.constant 4 : i32
      "tpu.region"() ({
        %run_scoped3A_767 = tpu.sem_alloc : memref<!tpu.dma_semaphore, #tpu.memory_space<semaphore_mem>>
        %dma_start3A_768 = arith.constant 320 : i32
        %dma_start3A_769 = arith.constant 0 : i32
        %dma_start3A_770 = tpu.memref_slice %arg14[%dma_start3A_768, %dma_start3A_769] : memref<400x64xf32, #tpu.memory_space<vmem>> -> memref<80x64xf32, #tpu.memory_space<vmem>>
        %dma_start3A_771 = arith.constant 0 : i32
        %dma_start3A_772 = tpu.memref_slice %arg13[%run_scoped3A_765, %dma_start3A_771] : memref<5x80xi32, #tpu.memory_space<vmem>> -> memref<1x80xi32, #tpu.memory_space<vmem>>
        %dma_start3A_773 = tpu.memref_squeeze %dma_start3A_772 : memref<1x80xi32, #tpu.memory_space<vmem>> -> memref<80xi32, #tpu.memory_space<vmem>>
        %dma_start3A_774 = arith.constant 0 : i32
        %dma_start3A_775 = arith.constant 0 : i32
        %dma_start3A_776 = tpu.memref_slice %arg9[%dma_start3A_774, %dma_start3A_775] : memref<25096x64xf32, #tpu.memory_space<vmem_shared>> -> memref<25096x64xf32, #tpu.memory_space<vmem_shared>>
        tpu.enqueue_indirect_dma source(%dma_start3A_770 : memref<80x64xf32, #tpu.memory_space<vmem>>) target(%dma_start3A_776 : memref<25096x64xf32, #tpu.memory_space<vmem_shared>>) offsets(%dma_start3A_773 : memref<80xi32, #tpu.memory_space<vmem>>) semaphore(%run_scoped3A_767 : memref<!tpu.dma_semaphore, #tpu.memory_space<semaphore_mem>>) {add = true}
        %dma_wait3A_777 = arith.constant 320 : i32
        %dma_wait3A_778 = arith.constant 0 : i32
        %dma_wait3A_779 = tpu.memref_slice %arg14[%dma_wait3A_777, %dma_wait3A_778] : memref<400x64xf32, #tpu.memory_space<vmem>> -> memref<80x64xf32, #tpu.memory_space<vmem>>
        %dma_wait3A_780 = arith.constant 0 : i32
        %dma_wait3A_781 = tpu.memref_slice %arg13[%run_scoped3A_765, %dma_wait3A_780] : memref<5x80xi32, #tpu.memory_space<vmem>> -> memref<1x80xi32, #tpu.memory_space<vmem>>
        %dma_wait3A_782 = tpu.memref_squeeze %dma_wait3A_781 : memref<1x80xi32, #tpu.memory_space<vmem>> -> memref<80xi32, #tpu.memory_space<vmem>>
        %dma_wait3A_783 = arith.constant 0 : i32
        %dma_wait3A_784 = arith.constant 0 : i32
        %dma_wait3A_785 = tpu.memref_slice %arg9[%dma_wait3A_783, %dma_wait3A_784] : memref<25096x64xf32, #tpu.memory_space<vmem_shared>> -> memref<25096x64xf32, #tpu.memory_space<vmem_shared>>
        tpu.wait_indirect_dma semaphore(%run_scoped3A_767 : memref<!tpu.dma_semaphore, #tpu.memory_space<semaphore_mem>>) src(%dma_wait3A_779 : memref<80x64xf32, #tpu.memory_space<vmem>>) dst(%dma_wait3A_785 : memref<25096x64xf32, #tpu.memory_space<vmem_shared>>)
        tpu.yield
      }) : () -> ()
      %run_scoped3A_766 = arith.constant 4 : i32
      "tpu.region"() ({
        %run_scoped3A_767 = tpu.sem_alloc : memref<!tpu.dma_semaphore, #tpu.memory_space<semaphore_mem>>
        %dma_start3A_768 = arith.constant 320 : i32
        %dma_start3A_769 = tpu.memref_slice %arg15[%dma_start3A_768] : memref<400xf32, #tpu.memory_space<vmem>> -> memref<80xf32, #tpu.memory_space<vmem>>
        %dma_start3A_770 = arith.constant 0 : i32
        %dma_start3A_771 = tpu.memref_slice %arg13[%run_scoped3A_766, %dma_start3A_770] : memref<5x80xi32, #tpu.memory_space<vmem>> -> memref<1x80xi32, #tpu.memory_space<vmem>>
        %dma_start3A_772 = tpu.memref_squeeze %dma_start3A_771 : memref<1x80xi32, #tpu.memory_space<vmem>> -> memref<80xi32, #tpu.memory_space<vmem>>
        %dma_start3A_773 = arith.constant 0 : i32
        %dma_start3A_774 = tpu.memref_slice %arg10[%dma_start3A_773] : memref<25096xf32, #tpu.memory_space<vmem_shared>> -> memref<25096xf32, #tpu.memory_space<vmem_shared>>
        tpu.enqueue_indirect_dma source(%dma_start3A_769 : memref<80xf32, #tpu.memory_space<vmem>>) target(%dma_start3A_774 : memref<25096xf32, #tpu.memory_space<vmem_shared>>) offsets(%dma_start3A_772 : memref<80xi32, #tpu.memory_space<vmem>>) semaphore(%run_scoped3A_767 : memref<!tpu.dma_semaphore, #tpu.memory_space<semaphore_mem>>) {add = true}
        %dma_wait3A_775 = arith.constant 320 : i32
        %dma_wait3A_776 = tpu.memref_slice %arg15[%dma_wait3A_775] : memref<400xf32, #tpu.memory_space<vmem>> -> memref<80xf32, #tpu.memory_space<vmem>>
        %dma_wait3A_777 = arith.constant 0 : i32
        %dma_wait3A_778 = tpu.memref_slice %arg13[%run_scoped3A_766, %dma_wait3A_777] : memref<5x80xi32, #tpu.memory_space<vmem>> -> memref<1x80xi32, #tpu.memory_space<vmem>>
        %dma_wait3A_779 = tpu.memref_squeeze %dma_wait3A_778 : memref<1x80xi32, #tpu.memory_space<vmem>> -> memref<80xi32, #tpu.memory_space<vmem>>
        %dma_wait3A_780 = arith.constant 0 : i32
        %dma_wait3A_781 = tpu.memref_slice %arg10[%dma_wait3A_780] : memref<25096xf32, #tpu.memory_space<vmem_shared>> -> memref<25096xf32, #tpu.memory_space<vmem_shared>>
        tpu.wait_indirect_dma semaphore(%run_scoped3A_767 : memref<!tpu.dma_semaphore, #tpu.memory_space<semaphore_mem>>) src(%dma_wait3A_776 : memref<80xf32, #tpu.memory_space<vmem>>) dst(%dma_wait3A_781 : memref<25096xf32, #tpu.memory_space<vmem_shared>>)
        tpu.yield
      }) : () -> ()
    }
    %scan3A_161 = arith.constant 125 : i32
    %barrier3A_162 = arith.constant 0 : index
    tpu.barrier barrier_id(%barrier3A_162)
    %mul3A_163 = arith.constant 1568 : i32
    %mul3A_164 = arith.muli %arg1, %mul3A_163 : i32
    %mul3A_165 = arith.constant 1568 : i32
    %mul3A_166 = arith.muli %arg1, %mul3A_165 : i32
    %add3A = arith.addi %mul3A_0, %mul3A_166 : i32
    "tpu.region"() ({
      %run_scoped3A = tpu.sem_alloc : memref<!tpu.dma_semaphore, #tpu.memory_space<semaphore_mem>>
      %dma_start3A = arith.constant 0 : i32
      %dma_start3A_172 = tpu.memref_slice %arg7[%add3A, %dma_start3A] : memref<50176x64xf32, #tpu.memory_space<hbm>> -> memref<1568x64xf32, #tpu.memory_space<hbm>>
      %dma_start3A_173 = arith.constant 0 : i32
      %dma_start3A_174 = tpu.memref_slice %arg9[%mul3A_164, %dma_start3A_173] : memref<25096x64xf32, #tpu.memory_space<vmem_shared>> -> memref<1568x64xf32, #tpu.memory_space<vmem_shared>>
      tpu.enqueue_dma source(%dma_start3A_174 : memref<1568x64xf32, #tpu.memory_space<vmem_shared>>) target(%dma_start3A_172 : memref<1568x64xf32, #tpu.memory_space<hbm>>) target_semaphore(%run_scoped3A : memref<!tpu.dma_semaphore, #tpu.memory_space<semaphore_mem>>)
      %dma_wait3A = arith.constant 0 : i32
      %dma_wait3A_175 = tpu.memref_slice %arg7[%add3A, %dma_wait3A] : memref<50176x64xf32, #tpu.memory_space<hbm>> -> memref<1568x64xf32, #tpu.memory_space<hbm>>
      %dma_wait3A_176 = arith.constant 0 : i32
      %dma_wait3A_177 = tpu.memref_slice %arg9[%mul3A_164, %dma_wait3A_176] : memref<25096x64xf32, #tpu.memory_space<vmem_shared>> -> memref<1568x64xf32, #tpu.memory_space<vmem_shared>>
      tpu.wait_dma2 semaphore(%run_scoped3A : memref<!tpu.dma_semaphore, #tpu.memory_space<semaphore_mem>>) src(%dma_wait3A_177 : memref<1568x64xf32, #tpu.memory_space<vmem_shared>>) dst(%dma_wait3A_175 : memref<1568x64xf32, #tpu.memory_space<hbm>>)
      tpu.yield
    }) : () -> ()
    %mul3A_167 = arith.constant 1568 : i32
    %mul3A_168 = arith.muli %arg1, %mul3A_167 : i32
    %mul3A_169 = arith.constant 1568 : i32
    %mul3A_170 = arith.muli %arg1, %mul3A_169 : i32
    %add3A_171 = arith.addi %mul3A_0, %mul3A_170 : i32
    "tpu.region"() ({
      %run_scoped3A = tpu.sem_alloc : memref<!tpu.dma_semaphore, #tpu.memory_space<semaphore_mem>>
      %dma_start3A = tpu.memref_slice %arg8[%add3A_171] : memref<50176xf32, #tpu.memory_space<hbm>> -> memref<1568xf32, #tpu.memory_space<hbm>>
      %dma_start3A_172 = tpu.memref_slice %arg10[%mul3A_168] : memref<25096xf32, #tpu.memory_space<vmem_shared>> -> memref<1568xf32, #tpu.memory_space<vmem_shared>>
      tpu.enqueue_dma source(%dma_start3A_172 : memref<1568xf32, #tpu.memory_space<vmem_shared>>) target(%dma_start3A : memref<1568xf32, #tpu.memory_space<hbm>>) target_semaphore(%run_scoped3A : memref<!tpu.dma_semaphore, #tpu.memory_space<semaphore_mem>>)
      %dma_wait3A = tpu.memref_slice %arg8[%add3A_171] : memref<50176xf32, #tpu.memory_space<hbm>> -> memref<1568xf32, #tpu.memory_space<hbm>>
      %dma_wait3A_173 = tpu.memref_slice %arg10[%mul3A_168] : memref<25096xf32, #tpu.memory_space<vmem_shared>> -> memref<1568xf32, #tpu.memory_space<vmem_shared>>
      tpu.wait_dma2 semaphore(%run_scoped3A : memref<!tpu.dma_semaphore, #tpu.memory_space<semaphore_mem>>) src(%dma_wait3A_173 : memref<1568xf32, #tpu.memory_space<vmem_shared>>) dst(%dma_wait3A : memref<1568xf32, #tpu.memory_space<hbm>>)
      tpu.yield
    }) : () -> ()
    return
  }
}

module attributes {stable_mosaic.version = 14 : i64} {
  func.func @_mm_body(%arg0: i32, %arg1: memref<1000x512xf32, #tpu.memory_space<vmem>>, %arg2: memref<512x64xf32, #tpu.memory_space<vmem>>, %arg3: memref<1x64xf32, #tpu.memory_space<vmem>>, %arg4: memref<512x1xf32, #tpu.memory_space<vmem>>, %arg5: memref<1000x64xf32, #tpu.memory_space<vmem>>, %arg6: memref<1000x1xf32, #tpu.memory_space<vmem>>) attributes {dimension_semantics = [#tpu.dimension_semantics<arbitrary>], iteration_bounds = array<i64: 50>, scalar_prefetch = 0 : i64, scratch_operands = 0 : i64, tpu.core_type = #tpu.core_type<tc>, window_params = [{transform_indices = @transform_0, window_bounds = array<i64: 1000, 512>}, {pipeline_mode = #tpu.pipeline_mode<synchronous>, transform_indices = @transform_1, window_bounds = array<i64: 512, 64>}, {pipeline_mode = #tpu.pipeline_mode<synchronous>, transform_indices = @transform_2, window_bounds = array<i64: 1, 64>}, {pipeline_mode = #tpu.pipeline_mode<synchronous>, transform_indices = @transform_3, window_bounds = array<i64: 512, 1>}, {transform_indices = @transform_4, window_bounds = array<i64: 1000, 64>}, {transform_indices = @transform_5, window_bounds = array<i64: 1000, 1>}]} {
    %get3A = arith.constant 0 : index
    %get3A_0 = arith.constant 0 : index
    %get3A_1 = vector.load %arg1[%get3A, %get3A_0] : memref<1000x512xf32, #tpu.memory_space<vmem>>, vector<1000x512xf32>
    %get3A_2 = arith.constant 0 : index
    %get3A_3 = arith.constant 0 : index
    %get3A_4 = vector.load %arg2[%get3A_2, %get3A_3] : memref<512x64xf32, #tpu.memory_space<vmem>>, vector<512x64xf32>
    %dot_general3A = arith.constant dense<0.000000e+00> : vector<1000x64xf32>
    %dot_general3A_5 = tpu.matmul %get3A_1, %get3A_4, %dot_general3A {dimension_numbers = #tpu.dot_dimension_numbers<[1], [0], [0], [1], [0, 0, 1, 1], [], []>, transpose_lhs_hint = false} : vector<1000x512xf32>, vector<512x64xf32>, vector<1000x64xf32> -> vector<1000x64xf32>
    %get3A_6 = arith.constant 0 : index
    %get3A_7 = arith.constant 0 : index
    %get3A_8 = vector.load %arg3[%get3A_6, %get3A_7] : memref<1x64xf32, #tpu.memory_space<vmem>>, vector<1x64xf32>
    %add3A = vector.broadcast %get3A_8 : vector<1x64xf32> to vector<1000x64xf32>
    %add3A_9 = arith.addf %dot_general3A_5, %add3A : vector<1000x64xf32>
    %swap3A = arith.constant 0 : index
    %swap3A_10 = arith.constant 0 : index
    %swap3A_11 = vector.load %arg5[%swap3A, %swap3A_10] : memref<1000x64xf32, #tpu.memory_space<vmem>>, vector<1000x64xf32>
    tpu.vector_store %arg5[%swap3A, %swap3A_10], %add3A_9 {strides = array<i32>} : memref<1000x64xf32, #tpu.memory_space<vmem>>, vector<1000x64xf32>,
    %get3A_12 = arith.constant 0 : index
    %get3A_13 = arith.constant 0 : index
    %get3A_14 = vector.load %arg4[%get3A_12, %get3A_13] : memref<512x1xf32, #tpu.memory_space<vmem>>, vector<512x1xf32>
    %dot_general3A_15 = arith.constant dense<0.000000e+00> : vector<1000x1xf32>
    %dot_general3A_16 = tpu.matmul %get3A_1, %get3A_14, %dot_general3A_15 {dimension_numbers = #tpu.dot_dimension_numbers<[1], [0], [0], [1], [0, 0, 1, 1], [], []>, transpose_lhs_hint = false} : vector<1000x512xf32>, vector<512x1xf32>, vector<1000x1xf32> -> vector<1000x1xf32>
    %swap3A_17 = arith.constant 0 : index
    %swap3A_18 = arith.constant 0 : index
    %swap3A_19 = vector.load %arg6[%swap3A_17, %swap3A_18] : memref<1000x1xf32, #tpu.memory_space<vmem>>, vector<1000x1xf32>
    tpu.vector_store %arg6[%swap3A_17, %swap3A_18], %dot_general3A_16 {strides = array<i32>} : memref<1000x1xf32, #tpu.memory_space<vmem>>, vector<1000x1xf32>,
    return
  }
  func.func @transform_0(%arg0: i32) -> (i32, i32) {
    %c0_i32 = arith.constant 0 : i32
    %c0_i32_0 = arith.constant 0 : i32
    return %arg0, %c0_i32 : i32, i32
  }
  func.func @transform_1(%arg0: i32) -> (i32, i32) {
    %c0_i32 = arith.constant 0 : i32
    %c0_i32_0 = arith.constant 0 : i32
    %c0_i32_1 = arith.constant 0 : i32
    return %c0_i32, %c0_i32_0 : i32, i32
  }
  func.func @transform_2(%arg0: i32) -> (i32, i32) {
    %c0_i32 = arith.constant 0 : i32
    %c0_i32_0 = arith.constant 0 : i32
    %c0_i32_1 = arith.constant 0 : i32
    return %c0_i32, %c0_i32_0 : i32, i32
  }
  func.func @transform_3(%arg0: i32) -> (i32, i32) {
    %c0_i32 = arith.constant 0 : i32
    %c0_i32_0 = arith.constant 0 : i32
    %c0_i32_1 = arith.constant 0 : i32
    return %c0_i32, %c0_i32_0 : i32, i32
  }
  func.func @transform_4(%arg0: i32) -> (i32, i32) {
    %c0_i32 = arith.constant 0 : i32
    %c0_i32_0 = arith.constant 0 : i32
    return %arg0, %c0_i32 : i32, i32
  }
  func.func @transform_5(%arg0: i32) -> (i32, i32) {
    %c0_i32 = arith.constant 0 : i32
    %c0_i32_0 = arith.constant 0 : i32
    return %arg0, %c0_i32 : i32, i32
  }
}

module attributes {stable_mosaic.version = 14 : i64} {
  func.func @_div_body(%arg0: i32, %arg1: memref<400x64xf32, #tpu.memory_space<vmem>>, %arg2: memref<400x1xf32, #tpu.memory_space<vmem>>, %arg3: memref<400x64xf32, #tpu.memory_space<vmem>>) attributes {dimension_semantics = [#tpu.dimension_semantics<arbitrary>], iteration_bounds = array<i64: 125>, scalar_prefetch = 0 : i64, scratch_operands = 0 : i64, tpu.core_type = #tpu.core_type<tc>, window_params = [{transform_indices = @transform_0, window_bounds = array<i64: 400, 64>}, {transform_indices = @transform_1, window_bounds = array<i64: 400, 1>}, {transform_indices = @transform_2, window_bounds = array<i64: 400, 64>}]} {
    %get3A = arith.constant 0 : index
    %get3A_0 = arith.constant 0 : index
    %get3A_1 = vector.load %arg2[%get3A, %get3A_0] : memref<400x1xf32, #tpu.memory_space<vmem>>, vector<400x1xf32>
    %max3A = arith.constant 1.000000e+00 : f32
    %max3A_2 = vector.broadcast %max3A : f32 to vector<400x1xf32>
    %max3A_3 = arith.maximumf %get3A_1, %max3A_2 : vector<400x1xf32>
    %get3A_4 = arith.constant 0 : index
    %get3A_5 = arith.constant 0 : index
    %get3A_6 = vector.load %arg1[%get3A_4, %get3A_5] : memref<400x64xf32, #tpu.memory_space<vmem>>, vector<400x64xf32>
    %div3A = vector.broadcast %max3A_3 : vector<400x1xf32> to vector<400x64xf32>
    %div3A_7 = arith.divf %get3A_6, %div3A : vector<400x64xf32>
    %swap3A = arith.constant 0 : index
    %swap3A_8 = arith.constant 0 : index
    %swap3A_9 = vector.load %arg3[%swap3A, %swap3A_8] : memref<400x64xf32, #tpu.memory_space<vmem>>, vector<400x64xf32>
    tpu.vector_store %arg3[%swap3A, %swap3A_8], %div3A_7 {strides = array<i32>} : memref<400x64xf32, #tpu.memory_space<vmem>>, vector<400x64xf32>,
    return
  }
  func.func @transform_0(%arg0: i32) -> (i32, i32) {
    %c0_i32 = arith.constant 0 : i32
    %c0_i32_0 = arith.constant 0 : i32
    return %arg0, %c0_i32 : i32, i32
  }
  func.func @transform_1(%arg0: i32) -> (i32, i32) {
    %c0_i32 = arith.constant 0 : i32
    %c0_i32_0 = arith.constant 0 : i32
    return %arg0, %c0_i32 : i32, i32
  }
  func.func @transform_2(%arg0: i32) -> (i32, i32) {
    %c0_i32 = arith.constant 0 : i32
    %c0_i32_0 = arith.constant 0 : i32
    return %arg0, %c0_i32 : i32, i32
  }
}

</mosaic_0001>

<sc_bundles>
// kernel: kernel.5.cloned.1.call-start
scs
__scs_entry_jumppad:
0x0: {  	(pc) =	sbr.rel $0x88, $3  }
0x1: {  	(tag) =	ssettag $0x0;
	lr =	simm.s32 $0x1  }
0x2: {  	[smem:$0x3F99] =	sst lr;
	_ =	strace $0xD0000000  }
0x3: {  	_ = 	snop  }
0x4: {  	_ = 	snop  }
0x5: {  	_ = 	snop  }
0x6: {  	_ = 	snop  }
0x7: {  	_ = 	snop  }
__scs_overlays_trampoline_lowered:
0x8: {  	[smem:$0x3FA8] =	sst s0  }
0x9: {  	[smem:$0x3FA9] =	sst s1  }
0xa: {  	[smem:$0x3FAA] =	sst s2  }
0xb: {  	[smem:$0x3FAB] =	sst s3  }
0xc: {  	[smem:$0x3FAC] =	sst s4  }
0xd: {  	[smem:$0x3FAD] =	sst s5  }
0xe: {  	[smem:$0x3FAE] =	sst s6  }
0xf: {  	[smem:$0x3FAF] =	sst s7  }
0x10: {  	[smem:$0x3FB0] =	sst s8  }
0x11: {  	[smem:$0x3FB1] =	sst s9;
	s0 =	simm.s32 @!p0 $0x0  }
0x12: {  	s1 =	sld [smem:$0x3F97];
	s0 =	simm.s32 @p0 $0x1  }
0x13: {  	[smem:$0x3FB2] =	sst s0;
	s0 =	simm.s32 @!p1 $0x0  }
0x14: {  	s2 =	sld [smem:$0x3F96];
	s0 =	simm.s32 @p1 $0x1  }
0x15: {  	[smem:$0x3FB3] =	sst s0;
	s0 =	simm.s32 @!p2 $0x0  }
0x16: {  	s3 =	sld [smem:$0x3FDB];
	s0 =	simm.s32 @p2 $0x1  }
0x17: {  	s4 =	simm.s32 $0x1BF5;
	[smem:$0x3FB5] =	sst s0  }
0x18: {  	s0 =	sld [smem:$0x3F98];
	_ =	swait.ge [sflag:s4], $0x0  }
0x19: {  	s7 =	sld [smem:$0x3F99]  }
0x1a: {  	s8 =	sadd.s32 $0xFFFFE003, lr  }
0x1b: {  	s9 =	sadd.s32 $0xFFFFFEF7, lr;
	s5 =	simm.s32 $0xFFFFFFFF;
	p2 =	slt.u32 s8, $0xFFFFF086  }
0x1c: {  	p1 =	slt.u32 s9, $0xF7A;
	s5 =	simm.s32 @!p2 $0x0  }
0x1d: {  	s5 =	simm.s32 @p1 $0x1;
	p0 =	seq.s32 s7, s2  }
0x1e: {  	s7 =	smul.u32 @!p0 $0xF7A, s2;
	p2 =	seq.s32 @!p0 s5, $0x0  }
0x1f: {  	s9 =	smul.u32 $0xF7A, s1;
	s8 =	simm.s32 @!p0 $0x1BF5;
	p2 =	por !p2, p0  }
0x20: {  	[sflag:s8] =	ssyncset.s32 @!p0 $0xFFFFF086;
	s6 =	sadd.s32 @!p0 s3, s7;
	s7 =	simm.s32 @!p0 $0x108  }
0x21: {  	s3 =	sadd.s32 s3, s9;
	s6 =	sadd.s32 @!p0 $0x88, s6;
	s7 =	simm.s32 @p2 $0x1082  }
0x22: {  	[simem:s7], [sflag:s8] =	dma.local @!p0 [hbm:s6], $0xF7A  }
0x23: {  	s9 =	sor.u32 $0xD0000000, s2;
	s6 =	simm.s32 $0x108;
	_ =	swait.ge @!p0 [sflag:s8], $0x0  }
0x24: {  	s3 =	sadd.s32 $0x88, s3;
	s6 =	simm.s32 @!p1 $0x1082;
	[sflag:s4] =	ssyncset.s32 $0xFFFFF086  }
0x25: {  	[simem:s6], [sflag:s4] =	dma.local [hbm:s3], $0xF7A  }
0x26: {  	[smem:$0x3F99] =	sst s1;
	(tag) =	ssettag s2;
	_ =	strace s9  }
0x27: {  	s1 =	sld [smem:$0x3FA9]  }
0x28: {  	s2 =	sld [smem:$0x3FAA]  }
0x29: {  	s4 =	sld [smem:$0x3FAC]  }
0x2a: {  	p0 =	seq.s32 s5, $0x0;
	s5 =	sld [smem:$0x3FAD]  }
0x2b: {  	s6 =	sld [smem:$0x3FAE]  }
0x2c: {  	s7 =	sld [smem:$0x3FAF]  }
0x2d: {  	s3 =	simm.s32 $0x108;
	s8 =	sld [smem:$0x3FB0]  }
0x2e: {  	s3 =	simm.s32 @!p0 $0x1082;
	s9 =	sld [smem:$0x3FB1]  }
0x2f: {  	lr =	sadd.s32 s0, s3;
	s0 =	sld [smem:$0x3FA8]  }
0x30: {  	s3 =	sld [smem:$0x3FAB]  }
0x31: {  	[smem:$0x3FB4] =	sst s10  }
0x32: {  	s10 =	sld [smem:$0x3FB2];
	_ =	sdelay $0x3  }
0x33: {  	p0 =	seq.s32 s10, $0x1;
	s10 =	sld [smem:$0x3FB4];
	_ =	sdelay $0x3  }
0x34: {  	[smem:$0x3FB4] =	sst s10  }
0x35: {  	s10 =	sld [smem:$0x3FB3];
	_ =	sdelay $0x3  }
0x36: {  	p1 =	seq.s32 s10, $0x1;
	s10 =	sld [smem:$0x3FB4];
	_ =	sdelay $0x3  }
0x37: {  	[smem:$0x3FB4] =	sst s10  }
0x38: {  	s10 =	sld [smem:$0x3FB5]  }
0x39: {  	_ = 	snop;
	(pc) =	sbr.ind lr, $3  }
0x3a: {  	_ = 	snop  }
0x3b: {  	_ = 	snop  }
0x3c: {  	p2 =	seq.s32 s10, $0x1;
	s10 =	sld [smem:$0x3FB4]  }
0x3d: {  	_ =	shalt  }
0x3e: {  	_ =	shalt  }
0x3f: {  	_ =	shalt  }
0x40: {  	_ =	shalt  }
0x41: {  	_ =	shalt  }
0x42: {  	_ =	shalt  }
0x43: {  	_ =	shalt  }
0x44: {  	_ =	shalt  }
0x45: {  	_ =	shalt  }
0x46: {  	_ =	shalt  }
0x47: {  	_ =	shalt  }
0x48: {  	_ =	shalt  }
0x49: {  	_ =	shalt  }
0x4a: {  	_ =	shalt  }
0x4b: {  	_ =	shalt  }
0x4c: {  	_ =	shalt  }
0x4d: {  	_ =	shalt  }
0x4e: {  	_ =	shalt  }
0x4f: {  	_ =	shalt  }
0x50: {  	_ =	shalt  }
0x51: {  	_ =	shalt  }
0x52: {  	_ =	shalt  }
0x53: {  	_ =	shalt  }
0x54: {  	_ =	shalt  }
0x55: {  	_ =	shalt  }
0x56: {  	_ =	shalt  }
0x57: {  	_ =	shalt  }
0x58: {  	_ =	shalt  }
0x59: {  	_ =	shalt  }
0x5a: {  	_ =	shalt  }
0x5b: {  	_ =	shalt  }
0x5c: {  	_ =	shalt  }
0x5d: {  	_ =	shalt  }
0x5e: {  	_ =	shalt  }
0x5f: {  	_ =	shalt  }
0x60: {  	_ =	shalt  }
0x61: {  	_ =	shalt  }
0x62: {  	_ =	shalt  }
0x63: {  	_ =	shalt  }
0x64: {  	_ =	shalt  }
0x65: {  	_ =	shalt  }
0x66: {  	_ =	shalt  }
0x67: {  	_ =	shalt  }
0x68: {  	_ =	shalt  }
0x69: {  	_ =	shalt  }
0x6a: {  	_ =	shalt  }
0x6b: {  	_ =	shalt  }
0x6c: {  	_ =	shalt  }
0x6d: {  	_ =	shalt  }
0x6e: {  	_ =	shalt  }
0x6f: {  	_ =	shalt  }
0x70: {  	_ =	shalt  }
0x71: {  	_ =	shalt  }
0x72: {  	_ =	shalt  }
0x73: {  	_ =	shalt  }
0x74: {  	_ =	shalt  }
0x75: {  	_ =	shalt  }
0x76: {  	_ =	shalt  }
0x77: {  	_ =	shalt  }
0x78: {  	_ =	shalt  }
0x79: {  	_ =	shalt  }
0x7a: {  	_ =	shalt  }
0x7b: {  	_ =	shalt  }
0x7c: {  	_ =	shalt  }
0x7d: {  	_ =	shalt  }
0x7e: {  	_ =	shalt  }
0x7f: {  	_ =	shalt  }
0x80: {  	_ =	shalt  }
0x81: {  	_ =	shalt  }
0x82: {  	_ =	shalt  }
0x83: {  	_ =	shalt  }
0x84: {  	_ =	shalt  }
0x85: {  	_ =	shalt  }
0x86: {  	_ =	shalt  }
0x87: {  	_ =	shalt  }
.Lfunc_end0:
.L_simem_size_0:
called_computation_lowered:
.L_overlay_start_0:
0x88: {  	s2 =	sld [smem:$0x3FD9]  }
0x89: {  	s3 =	sld [smem:$0x3FFE];
	_ =	sdelay $0x1  }
0x8a: {  	s1 =	srdreg.scid  }
0x8b: {  	s0 =	sand.u32 $0x1, s1  }
0x8c: {  	s14 =	sshll.u32 s0, $0xA;
	s2 =	sadd.s32 s3, s2  }
0x8d: {  	s2 =	sadd.s32 s2, s14  }
0x8e: {  	[smem:$0x3FC0] =	sst s2  }
0x8f: {  	_ = 	snop  }
0x90: {  	s2 =	sld [smem:$0x3FD0];
	_ =	sdelay $0x2  }
0x91: {  	s15 =	simm.s32 $0xA;
	s4 =	simm.s32 $0x10  }
0x92: {  	[smem:s4], [sflag:s15] =	dma.local [hbm:s2], $0x1  }
0x93: {  	_ =	swait.eq [sflag:s15], $0x1  }
0x94: {  	[sflag:s15] =	ssyncset.done $0x0  }
0x95: {  	[sflag:s15] =	ssyncadd.s32 $0xFFFFFFFF  }
0x96: {  	s16 =	sld [smem:$0x10];
	(tm) =	ssettm $0x1  }
0x97: {  	s17 =	sld [smem:$0x3FFB];
	_ =	sdelay $0x3  }
0x98: {  	_ =	strace s17  }
0x99: {  	s3 =	sld [smem:$0x3FFC];
	_ =	sdelay $0x3  }
0x9a: {  	_ =	strace s3  }
0x9b: {  	s3 =	sld [smem:$0x3FFD];
	_ =	sdelay $0x3  }
0x9c: {  	_ =	strace s3  }
0x9d: {  	_ =	strace $0x8FFFFFFF  }
0x9e: {  	s18 =	sld [smem:$0x3FDB];
	_ =	sdelay $0x1  }
0x9f: {  	s19 =	simm.s32 $_scs_section_size  }
0xa0: {  	s5 =	simm.s32 $_size__tile_overlayer_lowered;
	s6 =	simm.s32 $_tile_overlayer_lowered  }
0xa1: {  	s22 =	simm.s32 $0x1BFF;
	s21 =	sshll.u32 s6, $0x1;
	s3 =	sadd.s32 s19, s18  }
0xa2: {  	s7 =	simm.s32 $0x0;
	s20 =	sshll.u32 s5, $0x1;
	s5 =	sadd.s32 s21, s3  }
0xa3: {  	[timem:s7], [sflag:s22] =	dma.local [hbm:s5], s20  }
0xa4: {  	_ =	swait.ge [sflag:s22], s20  }
0xa5: {  	s4 =	ssub.s32 $0x0, s20;
	[sflag:s22] =	ssyncset.done $0x0  }
0xa6: {  	[sflag:s22] =	ssyncadd.s32 s4;
	_ =	sdelay $0x1  }
0xa7: {  	s23 =	simm.s32 $0x1B8B  }
0xa8: {  	_ =	swait.ge [sflag:s23], $0x1  }
0xa9: {  	[sflag:s23] =	ssyncset.done $0x0  }
0xaa: {  	s25 =	simm.s32 $0x1B8E;
	s24 =	sld [smem:$0x3FFE];
	[sflag:s23] =	ssyncadd.s32 $0xFFFFFFFF  }
0xab: {  	s26 =	simm.s32 $execute0_lowered;
	[smem:$0x3FD2] =	sst s25  }
0xac: {  	s5 =	sshll.u32 s26, $0x1;
	_ =	strace $0x80000046;
	[dreg:$0x1] =	wrdreg $0xFFFFFFFF  }
0xad: {  	s28 =	simm.s32 $_size_execute0_lowered;
	s3 =	sadd.s32 s3, s5;
	[dreg:$0x0] =	wrdreg $0x0  }
0xae: {  	s5 =	sshll.u32 s28, $0x1;
	[dreg:$0x2] =	wrdreg s3  }
0xaf: {  	[dreg:$0x3] =	wrdreg s5  }
0xb0: {  	[dreg:$0x4] =	wrdreg $0xC0  }
0xb1: {  	_ =	task [dreg:s7], $0x5FFFF  }
0xb2: {  	[dreg:$0x1] =	wrdreg $0xFFFFFFFF  }
0xb3: {  	[dreg:$0x0] =	wrdreg $0x60  }
0xb4: {  	[dreg:$0x2] =	wrdreg s16  }
0xb5: {  	[dreg:$0x3] =	wrdreg s24  }
0xb6: {  	[dreg:$0x4] =	wrdreg $0x0  }
0xb7: {  	[dreg:$0x5] =	wrdreg $0x188200  }
0xb8: {  	[dreg:$0x6] =	wrdreg $0x9  }
0xb9: {  	_ =	task.clear_ibuf [dreg:s7], $0x7FFFF;
	_ =	strace $0x90000046  }
0xba: {  	s29 =	simm.s32 $0x9;
	_ =	strace $0x80000048  }
0xbb: {  	_ =	swait.ge [sflag:s29], $0x1  }
0xbc: {  	[sflag:s29] =	ssyncadd.s32 $0xFFFFFFFF  }
0xbd: {  	_ =	strace $0x90000048  }
0xbe: {  	_ =	sfence  }
0xbf: {  	s30 =	sld [smem:$0x0];
	_ =	sdelay $0x2  }
0xc0: {  	s31 =	sshll.u32 s1, $0xD;
	s1 =	sshrl.u32 s1, $0x2  }
0xc1: {  	s3 =	sand.u32 $0x4000, s31;
	s1 =	sadd.s32 s1, s30  }
0xc2: {  	s0 =	sor.u32 s3, s0;
	s1 =	sshll.u32 s1, $0x11  }
0xc3: {  	s0 =	sor.u32 s1, s0  }
0xc4: {  	s0 =	sadd.s32 $0x8F2B, s0  }
0xc5: {  	[sflag:s0] =	ssyncadd.remote.s32 $0x1  }
0xc6: {  	_ =	sfence.sel $0xFFFF  }
0xc7: {  	[dreg:$0x0] =	wrdreg $0xFFFFFFFF;
	(pc) =	sbr.abs _section_cstart, $3  }
0xc8: {  	[dreg:$0x1] =	wrdreg $0xFFFFFFFF  }
0xc9: {  	_ =	task.clear_ibuf [dreg:s7], $0x2FFFF;
	_ =	strace $0x9FFFFFFF  }
0xca: {  	(tm) =	ssettm $0x7FFFFFFF  }
0xcb: {  	_ =	shalt  }
tec
execute0_lowered:
.L_overlay_start_1:
0x0: {  	(tag) =	ssettag $0x1  }
0x1: {  	s2 =	rddreg [dreg:$0x0]  }
0x2: {  	s0 =	rddreg [dreg:$0x1]  }
0x3: {  	s3 =	rddreg [dreg:$0x2]  }
0x4: {  	s4 =	rddreg [dreg:$0x3]  }
0x5: {  	s15 =	stileid.u32;
	s7 =	srdreg.scid;
	s5 =	simm.s32 $0x0  }
0x6: {  	s22 =	simm.s32 $0x18FD8;
	s23 =	simm.s32 $0x18EC8;
	s24 =	simm.s32 $0x1B2F8  }
0x7: {  	s25 =	simm.s32 $0x18F48;
	s26 =	simm.s32 $0x1D2F8;
	s28 =	simm.s32 $0x1F748  }
0x8: {  	s29 =	simm.s32 $0x19208;
	s30 =	simm.s32 $0x1BAF8;
	[smem:$0x7FF] =	sst s5  }
0x9: {  	s1 =	smul.u32 $0x186A, s15;
	_ =	strace $0x80000047;
	[dreg:$0x7] =	wrdreg s22  }
0xa: {  	s31 =	simm.s32 $0x1F798;
	s6 =	smul.u32 $0x18800, s15;
	[dreg:$0x8] =	wrdreg s23  }
0xb: {  	s8 =	smul.u32 $0x620, s15;
	s7 =	sand.u32 $0x1, s7;
	[dreg:$0x9] =	wrdreg s24  }
0xc: {  	s17 =	sshll.u32 s15, $0x6;
	s15 =	simm.s32 $0x18E48;
	[dreg:$0xa] =	wrdreg s25  }
0xd: {  	s9 =	smul.u32 $0x6200, s7;
	s7 =	ssub.s32 $0x2, s7;
	[dreg:$0xb] =	wrdreg s26  }
0xe: {  	s22 =	simm.s32 $0x50;
	s23 =	simm.s32 $0x19168;
	s24 =	simm.s32 $0x1F6F8  }
0xf: {  	s25 =	simm.s32 $0x191B8;
	s26 =	simm.s32 $0x1A6F8;
	s1 =	sadd.s32 s1, s0  }
0x10: {  	s10 =	sshrl.u32 s6, $0x3;
	s11 =	sshrl.u32 s8, $0x3;
	s14 =	sshrl.u32 s7, $0x1  }
0x11: {  	s6 =	sadd.s32 s6, s3;
	s10 =	sadd.s32 s10, s0;
	s12 =	sadd.s32 s8, s9  }
0x12: {  	s11 =	sadd.s32 s11, s0;
	s16 =	ssub.s32 s7, s14;
	s14 =	sor.u32 $0x1C02, s17  }
0x13: {  	s8 =	sadd.s32 s8, s4;
	s19 =	sadd.s32 $0x1C00, s1;
	s1 =	sadd.s32 $0x1A400, s1  }
0x14: {  	s17 =	simm.s32 $0x192F8;
	v0 =	vmov s9;
	s9 =	simm.s32 $0x1E2F8;
	s7 =	simm.s32 $0x0  }
0x15: {  	s13 =	sshll.u32 s12, $0x3;
	s12 =	sshrl.u32 s12, $0x3;
	[dreg:$0x5] =	wrdreg s19  }
0x16: {  	s10 =	sadd.s32 $0x33A00, s10;
	s18 =	sadd.s32 $0x32C00, s11;
	[dreg:$0x6] =	wrdreg s1  }
0x17: {  	s21 =	smax.u32 s16, $0x1;
	s11 =	sshrl.u32 s6, $0x3;
	[dreg:$0x14] =	wrdreg s7  }
0x18: {  	s16 =	simm.s32 $0x80;
	s19 =	simm.s32 $0x18FC8;
	[dreg:$0xd] =	wrdreg s14  }
0x19: {  	s1 =	simm.s32 $0x1CEF8;
	s6 =	simm.s32 $0x1F7E8;
	[dreg:$0xc] =	wrdreg s10  }
0x1a: {  	s13 =	sadd.s32 s13, s0;
	s0 =	sadd.s32 s12, s0;
	[dreg:$0xe] =	wrdreg s18  }
0x1b: {  	[dreg:$0x11] =	wrdreg s21;
	s12 =	sshrl.u32 s8, $0x3;
	s18 =	simm.s32 $0x10  }
0x1c: {  	s21 =	simm.s32 $0x1;
	s8 =	simm.s32 $0x192A8;
	[dreg:$0x12] =	wrdreg s11  }
0x1d: {  	s10 =	simm.s32 $0x1F838;
	s20 =	sadd.s32 $0x64A00, s13;
	[dreg:$0x13] =	wrdreg s12  }
0x1e: {  	s0 =	sadd.s32 $0xC6A00, s0;
	s13 =	simm.s32 $0x2;
	[dreg:$0xf] =	wrdreg s20  }
0x1f: {  	v1 =	vimm.f32 $1.000000000e+00;
	[dreg:$0x10] =	wrdreg s0;
	s20 =	simm.s32 $0x1F2F8;
	s0 =	simm.s32 $0x19258  }
.LBB2_1:
0x20: {  	[tilespmem:$0x1F6F8] =	vst v1  }
0x21: {  	[tilespmem:$0x1F708] =	vst v1  }
0x22: {  	[tilespmem:$0x1F718] =	vst v1  }
0x23: {  	[tilespmem:$0x1F728] =	vst v1  }
0x24: {  	[tilespmem:$0x1F738] =	vst v1  }
0x25: {  	[tilespmem:$0x1F748] =	vst v1  }
0x26: {  	[tilespmem:$0x1F758] =	vst v1  }
0x27: {  	[tilespmem:$0x1F768] =	vst v1  }
0x28: {  	[tilespmem:$0x1F778] =	vst v1  }
0x29: {  	[tilespmem:$0x1F788] =	vst v1  }
0x2a: {  	[tilespmem:$0x1F798] =	vst v1  }
0x2b: {  	[tilespmem:$0x1F7A8] =	vst v1  }
0x2c: {  	[tilespmem:$0x1F7B8] =	vst v1  }
0x2d: {  	[tilespmem:$0x1F7C8] =	vst v1  }
0x2e: {  	[tilespmem:$0x1F7D8] =	vst v1  }
0x2f: {  	[tilespmem:$0x1F7E8] =	vst v1  }
0x30: {  	[tilespmem:$0x1F7F8] =	vst v1  }
0x31: {  	[tilespmem:$0x1F808] =	vst v1  }
0x32: {  	[tilespmem:$0x1F818] =	vst v1  }
0x33: {  	[tilespmem:$0x1F828] =	vst v1  }
0x34: {  	[tilespmem:$0x1F838] =	vst v1  }
0x35: {  	[tilespmem:$0x1F848] =	vst v1  }
0x36: {  	[tilespmem:$0x1F858] =	vst v1  }
0x37: {  	[tilespmem:$0x1F868] =	vst v1  }
0x38: {  	[tilespmem:$0x1F878] =	vst v1;
	s7 =	rddreg [dreg:$0xc]  }
0x39: {  	[spmem:s11], [sflag:s14] =	dma.local [hbm:s7], $0x3100  }
0x3a: {  	_ =	swait.ge [sflag:s13], $0x3100  }
0x3b: {  	[sflag:s13] =	ssyncset.done $0x0  }
0x3c: {  	s11 =	rddreg [dreg:$0xe];
	[sflag:s13] =	ssyncadd.s32 $0xFFFFCF00  }
0x3d: {  	[spmem:s12], [sflag:s14] =	dma.local [hbm:s11], $0xC4  }
0x3e: {  	_ =	swait.ge [sflag:s13], $0xC4  }
0x3f: {  	[sflag:s13] =	ssyncset.done $0x0  }
0x40: {  	[sflag:s13] =	ssyncadd.s32 $0xFFFFFF3C  }
0x41: {  	[bflag:$0x0] =	sbarrier.arrive $0xFFFF  }
0x42: {  	s14 =	rddreg [dreg:$0x6]  }
0x43: {  	s12 =	sadd.s32 $0x0, s14  }
0x44: {  	[tilespmem:s15], [sflag:$0x2] =	stream.linear.gather [hbm4b:s12+s5], $0x190, $0x38;
	[tilespmem:$0x1F888] =	vst v63  }
0x45: {  	_ =	swait.ge [sflag:s13], $0x190  }
0x46: {  	s7 =	rddreg [dreg:$0x5];
	[sflag:s13] =	ssyncset.done $0x0  }
0x47: {  	s11 =	rddreg [dreg:$0x7];
	[sflag:s13] =	ssyncadd.s32 $0xFFFFFE70;
	s12 =	sadd.s32 $0x0, s7  }
0x48: {  	[tilespmem:s11], [sflag:$0x2] =	stream.linear.gather [hbm4b:s12+s5], $0x190, $0x38;
	[tilespmem:$0x1F888] =	vst v63  }
0x49: {  	_ =	swait.ge [sflag:s13], $0x190  }
0x4a: {  	s12 =	rddreg [dreg:$0xa];
	[sflag:s13] =	ssyncset.done $0x0  }
0x4b: {  	s14 =	rddreg [dreg:$0x8];
	[sflag:s13] =	ssyncadd.s32 $0xFFFFFE70  }
0x4c: {  	[tilespmem:s17], [sflag:$0x1] =	stream.indirect.gather [hbm4b:s2+s16], $0x40, s15, s16, $0xb8;
	[tilespmem:$0x1F888] =	vst v63  }
0x4d: {  	s7 =	rddreg [dreg:$0x9]  }
0x4e: {  	[tilespmem:s7], [sflag:$0x1] =	stream.indirect.gather [hbm4b:s2+s16], $0x40, s14, s16, $0xb8;
	[tilespmem:$0x1F888] =	vst v63  }
0x4f: {  	s11 =	rddreg [dreg:$0xb]  }
0x50: {  	[tilespmem:s11], [sflag:$0x1] =	stream.indirect.gather [hbm4b:s2+s16], $0x40, s12, s16, $0xb8;
	[tilespmem:$0x1F888] =	vst v63  }
0x51: {  	_ = 	snop  }
0x52: {  	[tilespmem:s20], [sflag:$0x1] =	stream.indirect.gather [hbm4b:s2+s18], $0x40, s19, s18, $0xb8;
	[tilespmem:$0x1F888] =	vst v63  }
0x53: {  	_ =	swait.ge [sflag:s21], $0x2000  }
0x54: {  	[sflag:s21] =	ssyncset.done $0x0  }
0x55: {  	[sflag:s21] =	ssyncadd.s32 $0xFFFFE000  }
0x56: {  	_ =	swait.ge [sflag:s21], $0x2000  }
0x57: {  	[sflag:s21] =	ssyncset.done $0x0  }
0x58: {  	[sflag:s21] =	ssyncadd.s32 $0xFFFFE000  }
0x59: {  	_ =	swait.ge [sflag:s21], $0x2000  }
0x5a: {  	[sflag:s21] =	ssyncset.done $0x0  }
0x5b: {  	[sflag:s21] =	ssyncadd.s32 $0xFFFFE000  }
0x5c: {  	_ =	swait.ge [sflag:s21], $0x400  }
0x5d: {  	[sflag:s21] =	ssyncset.done $0x0  }
0x5e: {  	[sflag:s21] =	ssyncadd.s32 $0xFFFFFC00  }
0x5f: {  	v2 =	vld [tilespmem:$0x19158]  }
0x60: {  	v3 =	vld [tilespmem:$0x19088]  }
0x61: {  	v4 =	vld [tilespmem:$0x19148]  }
0x62: {  	v6 =	vld [tilespmem:$0x19128]  }
0x63: {  	v7 =	vld [tilespmem:$0x19118]  }
0x64: {  	v8 =	vld [tilespmem:$0x190F8];
	v2 =	vsub.s32 v2, v0  }
0x65: {  	v9 =	vld [tilespmem:$0x19108];
	v3 =	vsub.s32 v3, v0;
	v2 =	vmin.u32 v2, $0x6200  }
0x66: {  	v5 =	vld [tilespmem:$0x19138];
	v4 =	vsub.s32 v4, v0;
	v3 =	vmin.u32 v3, $0x6200;
	[tilespmem:$0x192E8] =	vst v2  }
0x67: {  	v59 =	vld [tilespmem:$0x18FE8];
	v6 =	vsub.s32 v6, v0;
	v4 =	vmin.u32 v4, $0x6200;
	[tilespmem:$0x19218] =	vst v3  }
0x68: {  	v51 =	vld [tilespmem:$0x19078];
	v7 =	vsub.s32 v7, v0;
	v6 =	vmin.u32 v6, $0x6200;
	[tilespmem:$0x192D8] =	vst v4  }
0x69: {  	v8 =	vsub.s32 v8, v0;
	v7 =	vmin.u32 v7, $0x6200;
	v2 =	vld [tilespmem:$0x190E8];
	[tilespmem:$0x192B8] =	vst v6  }
0x6a: {  	v46 =	vld [tilespmem:$0x190D8];
	v9 =	vsub.s32 v9, v0;
	v8 =	vmin.u32 v8, $0x6200;
	[tilespmem:$0x192A8] =	vst v7  }
0x6b: {  	v47 =	vld [tilespmem:$0x190B8];
	v50 =	vmin.u32 v9, $0x6200;
	v3 =	vsub.s32 v5, v0;
	[tilespmem:$0x19288] =	vst v8  }
0x6c: {  	v48 =	vld [tilespmem:$0x190A8];
	v62 =	vsub.s32 v59, v0;
	[tilespmem:$0x19298] =	vst v50;
	v3 =	vmin.u32 v3, $0x6200  }
0x6d: {  	v9 =	vsub.s32 v51, v0;
	v63 =	vmin.u32 v62, $0x6200;
	[tilespmem:$0x192C8] =	vst v3;
	v3 =	vld [tilespmem:$0x190C8]  }
0x6e: {  	v49 =	vld [tilespmem:$0x19098];
	v9 =	vmin.u32 v9, $0x6200;
	[tilespmem:$0x19178] =	vst v63;
	v2 =	vsub.s32 v2, v0  }
0x6f: {  	v52 =	vld [tilespmem:$0x18FD8];
	v5 =	vsub.s32 v46, v0;
	[tilespmem:$0x19208] =	vst v9;
	v2 =	vmin.u32 v2, $0x6200  }
0x70: {  	v4 =	vsub.s32 v47, v0;
	v5 =	vmin.u32 v5, $0x6200;
	[tilespmem:$0x19278] =	vst v2;
	v2 =	vld [tilespmem:$0x19068]  }
0x71: {  	v53 =	vld [tilespmem:$0x19058];
	v6 =	vsub.s32 v48, v0;
	v4 =	vmin.u32 v4, $0x6200;
	[tilespmem:$0x19268] =	vst v5  }
0x72: {  	v54 =	vld [tilespmem:$0x19048];
	v6 =	vmin.u32 v6, $0x6200;
	[tilespmem:$0x19248] =	vst v4;
	v3 =	vsub.s32 v3, v0  }
0x73: {  	v56 =	vld [tilespmem:$0x19028];
	v7 =	vsub.s32 v49, v0;
	[tilespmem:$0x19238] =	vst v6;
	v3 =	vmin.u32 v3, $0x6200  }
0x74: {  	v55 =	vsub.s32 v52, v0;
	v7 =	vmin.u32 v7, $0x6200;
	[tilespmem:$0x19258] =	vst v3;
	v3 =	vld [tilespmem:$0x19038]  }
0x75: {  	v57 =	vld [tilespmem:$0x19018];
	[tilespmem:$0x19228] =	vst v7;
	v6 =	vmin.u32 v55, $0x6200;
	v2 =	vsub.s32 v2, v0  }
0x76: {  	v58 =	vld [tilespmem:$0x19008];
	v5 =	vsub.s32 v53, v0;
	[tilespmem:$0x19168] =	vst v6;
	v2 =	vmin.u32 v2, $0x6200  }
0x77: {  	v4 =	vsub.s32 v54, v0;
	v5 =	vmin.u32 v5, $0x6200;
	[tilespmem:$0x191F8] =	vst v2;
	v2 =	vld [tilespmem:$0x18FF8]  }
0x78: {  	v60 =	vsub.s32 v56, v0;
	v4 =	vmin.u32 v4, $0x6200;
	[tilespmem:$0x191E8] =	vst v5  }
0x79: {  	[tilespmem:$0x191D8] =	vst v4;
	v5 =	vmin.u32 v60, $0x6200;
	v3 =	vsub.s32 v3, v0  }
0x7a: {  	v61 =	vsub.s32 v57, v0;
	[tilespmem:$0x191B8] =	vst v5;
	v3 =	vmin.u32 v3, $0x6200  }
0x7b: {  	v4 =	vmin.u32 v61, $0x6200;
	[tilespmem:$0x191C8] =	vst v3;
	v3 =	vsub.s32 v58, v0  }
0x7c: {  	[tilespmem:$0x191A8] =	vst v4;
	v3 =	vmin.u32 v3, $0x6200;
	v2 =	vsub.s32 v2, v0  }
0x7d: {  	[tilespmem:$0x19198] =	vst v3;
	v2 =	vmin.u32 v2, $0x6200  }
0x7e: {  	[tilespmem:$0x19188] =	vst v2  }
0x7f: {  	[spmem:s3] =	stream.indirect.scatter.add.f32 [tilespmem:s17], [sflag:$0x2], $0x40, s23, s22, $0xb8;
	[tilespmem:$0x1F888] =	vst v63  }
0x80: {  	_ =	swait.ge [sflag:s13], $0x1400  }
0x81: {  	[sflag:s13] =	ssyncset.done $0x0  }
0x82: {  	[sflag:s13] =	ssyncadd.s32 $0xFFFFEC00  }
0x83: {  	[spmem:s4] =	stream.indirect.scatter.add.f32 [tilespmem:s24], [sflag:$0x2], $0x1, s23, s22, $0xb8;
	[tilespmem:$0x1F888] =	vst v63  }
0x84: {  	_ =	swait.ge [sflag:s13], $0x50  }
0x85: {  	[sflag:s13] =	ssyncset.done $0x0  }
0x86: {  	[sflag:s13] =	ssyncadd.s32 $0xFFFFFFB0  }
0x87: {  	[spmem:s3] =	stream.indirect.scatter.add.f32 [tilespmem:s26], [sflag:$0x2], $0x40, s25, s22, $0xb8;
	[tilespmem:$0x1F888] =	vst v63  }
0x88: {  	_ =	swait.ge [sflag:s13], $0x1400  }
0x89: {  	[sflag:s13] =	ssyncset.done $0x0  }
0x8a: {  	[sflag:s13] =	ssyncadd.s32 $0xFFFFEC00  }
0x8b: {  	[spmem:s4] =	stream.indirect.scatter.add.f32 [tilespmem:s28], [sflag:$0x2], $0x1, s25, s22, $0xb8;
	[tilespmem:$0x1F888] =	vst v63  }
0x8c: {  	s12 =	simm.s32 $0x32;
	_ =	swait.ge [sflag:s13], $0x50  }
.LBB2_2:
0x8d: {  	[sflag:s13] =	ssyncset.done $0x0  }
0x8e: {  	[sflag:s13] =	ssyncadd.s32 $0xFFFFFFB0  }
0x8f: {  	[spmem:s3] =	stream.indirect.scatter.add.f32 [tilespmem:s30], [sflag:$0x2], $0x40, s29, s22, $0xb8;
	[tilespmem:$0x1F888] =	vst v63  }
0x90: {  	_ =	swait.ge [sflag:s13], $0x1400  }
0x91: {  	[sflag:s13] =	ssyncset.done $0x0  }
0x92: {  	[sflag:s13] =	ssyncadd.s32 $0xFFFFEC00  }
0x93: {  	[spmem:s4] =	stream.indirect.scatter.add.f32 [tilespmem:s31], [sflag:$0x2], $0x1, s29, s22, $0xb8;
	[tilespmem:$0x1F888] =	vst v63  }
0x94: {  	_ =	swait.ge [sflag:s13], $0x50  }
0x95: {  	[sflag:s13] =	ssyncset.done $0x0  }
0x96: {  	[sflag:s13] =	ssyncadd.s32 $0xFFFFFFB0  }
0x97: {  	[spmem:s3] =	stream.indirect.scatter.add.f32 [tilespmem:s1], [sflag:$0x2], $0x40, s0, s22, $0xb8;
	[tilespmem:$0x1F888] =	vst v63  }
0x98: {  	_ =	swait.ge [sflag:s13], $0x1400  }
0x99: {  	[sflag:s13] =	ssyncset.done $0x0  }
0x9a: {  	[sflag:s13] =	ssyncadd.s32 $0xFFFFEC00  }
0x9b: {  	[spmem:s4] =	stream.indirect.scatter.add.f32 [tilespmem:s6], [sflag:$0x2], $0x1, s0, s22, $0xb8;
	[tilespmem:$0x1F888] =	vst v63  }
0x9c: {  	_ =	swait.ge [sflag:s13], $0x50  }
0x9d: {  	[sflag:s13] =	ssyncset.done $0x0  }
0x9e: {  	[sflag:s13] =	ssyncadd.s32 $0xFFFFFFB0  }
0x9f: {  	[spmem:s3] =	stream.indirect.scatter.add.f32 [tilespmem:s9], [sflag:$0x2], $0x40, s8, s22, $0xb8;
	[tilespmem:$0x1F888] =	vst v63  }
0xa0: {  	_ =	swait.ge [sflag:s13], $0x1400  }
0xa1: {  	[sflag:s13] =	ssyncset.done $0x0  }
0xa2: {  	[sflag:s13] =	ssyncadd.s32 $0xFFFFEC00  }
0xa3: {  	[spmem:s4] =	stream.indirect.scatter.add.f32 [tilespmem:s10], [sflag:$0x2], $0x1, s8, s22, $0xb8;
	[tilespmem:$0x1F888] =	vst v63  }
0xa4: {  	_ =	swait.ge [sflag:s13], $0x50  }
0xa5: {  	s14 =	smov.u32 s12;
	s7 =	rddreg [dreg:$0x6];
	[sflag:s13] =	ssyncset.done $0x0  }
0xa6: {  	[sflag:s13] =	ssyncadd.s32 $0xFFFFFFB0;
	s7 =	sadd.s32 s14, s7  }
0xa7: {  	[tilespmem:s15], [sflag:$0x2] =	stream.linear.gather [hbm4b:s7+s5], $0x190, $0x38;
	[tilespmem:$0x1F888] =	vst v63  }
0xa8: {  	_ =	swait.ge [sflag:s13], $0x190  }
0xa9: {  	s18 =	rddreg [dreg:$0x5];
	[sflag:s13] =	ssyncset.done $0x0  }
0xaa: {  	s11 =	rddreg [dreg:$0x7];
	[sflag:s13] =	ssyncadd.s32 $0xFFFFFE70;
	s7 =	sadd.s32 s14, s18  }
0xab: {  	[tilespmem:s11], [sflag:$0x2] =	stream.linear.gather [hbm4b:s7+s5], $0x190, $0x38;
	[tilespmem:$0x1F888] =	vst v63  }
0xac: {  	_ =	swait.ge [sflag:s13], $0x190  }
0xad: {  	[sflag:s13] =	ssyncset.done $0x0;
	s7 =	rddreg [dreg:$0xa]  }
0xae: {  	s11 =	rddreg [dreg:$0x8];
	[sflag:s13] =	ssyncadd.s32 $0xFFFFFE70  }
0xaf: {  	[tilespmem:s17], [sflag:$0x1] =	stream.indirect.gather [hbm4b:s2+s16], $0x40, s15, s16, $0xb8;
	[tilespmem:$0x1F888] =	vst v63  }
0xb0: {  	s14 =	rddreg [dreg:$0x9]  }
0xb1: {  	[tilespmem:s14], [sflag:$0x1] =	stream.indirect.gather [hbm4b:s2+s16], $0x40, s11, s16, $0xb8;
	[tilespmem:$0x1F888] =	vst v63  }
0xb2: {  	s18 =	rddreg [dreg:$0xb]  }
0xb3: {  	[tilespmem:s18], [sflag:$0x1] =	stream.indirect.gather [hbm4b:s2+s16], $0x40, s7, s16, $0xb8;
	[tilespmem:$0x1F888] =	vst v63  }
0xb4: {  	s18 =	simm.s32 $0x10  }
0xb5: {  	[tilespmem:s20], [sflag:$0x1] =	stream.indirect.gather [hbm4b:s2+s18], $0x40, s19, s18, $0xb8;
	[tilespmem:$0x1F888] =	vst v63  }
0xb6: {  	_ =	swait.ge [sflag:s21], $0x2000  }
0xb7: {  	[sflag:s21] =	ssyncset.done $0x0  }
0xb8: {  	[sflag:s21] =	ssyncadd.s32 $0xFFFFE000  }
0xb9: {  	_ =	swait.ge [sflag:s21], $0x2000  }
0xba: {  	[sflag:s21] =	ssyncset.done $0x0  }
0xbb: {  	[sflag:s21] =	ssyncadd.s32 $0xFFFFE000  }
0xbc: {  	_ =	swait.ge [sflag:s21], $0x2000  }
0xbd: {  	[sflag:s21] =	ssyncset.done $0x0  }
0xbe: {  	[sflag:s21] =	ssyncadd.s32 $0xFFFFE000  }
0xbf: {  	_ =	swait.ge [sflag:s21], $0x400  }
0xc0: {  	[sflag:s21] =	ssyncset.done $0x0  }
0xc1: {  	[sflag:s21] =	ssyncadd.s32 $0xFFFFFC00  }
0xc2: {  	v2 =	vld [tilespmem:$0x19158]  }
0xc3: {  	v3 =	vld [tilespmem:$0x19088]  }
0xc4: {  	v4 =	vld [tilespmem:$0x19148]  }
0xc5: {  	v6 =	vld [tilespmem:$0x19128]  }
0xc6: {  	v7 =	vld [tilespmem:$0x19118]  }
0xc7: {  	v8 =	vld [tilespmem:$0x190F8];
	v2 =	vsub.s32 v2, v0  }
0xc8: {  	v9 =	vld [tilespmem:$0x19108];
	v3 =	vsub.s32 v3, v0;
	v2 =	vmin.u32 v2, $0x6200  }
0xc9: {  	v5 =	vld [tilespmem:$0x19138];
	v4 =	vsub.s32 v4, v0;
	v3 =	vmin.u32 v3, $0x6200;
	[tilespmem:$0x192E8] =	vst v2  }
0xca: {  	v59 =	vld [tilespmem:$0x18FE8];
	v6 =	vsub.s32 v6, v0;
	v4 =	vmin.u32 v4, $0x6200;
	[tilespmem:$0x19218] =	vst v3  }
0xcb: {  	v51 =	vld [tilespmem:$0x19078];
	v7 =	vsub.s32 v7, v0;
	v6 =	vmin.u32 v6, $0x6200;
	[tilespmem:$0x192D8] =	vst v4  }
0xcc: {  	v8 =	vsub.s32 v8, v0;
	v7 =	vmin.u32 v7, $0x6200;
	v2 =	vld [tilespmem:$0x190E8];
	[tilespmem:$0x192B8] =	vst v6  }
0xcd: {  	v46 =	vld [tilespmem:$0x190D8];
	v9 =	vsub.s32 v9, v0;
	v8 =	vmin.u32 v8, $0x6200;
	[tilespmem:$0x192A8] =	vst v7  }
0xce: {  	v47 =	vld [tilespmem:$0x190B8];
	v50 =	vmin.u32 v9, $0x6200;
	v3 =	vsub.s32 v5, v0;
	[tilespmem:$0x19288] =	vst v8  }
0xcf: {  	v48 =	vld [tilespmem:$0x190A8];
	v62 =	vsub.s32 v59, v0;
	[tilespmem:$0x19298] =	vst v50;
	v3 =	vmin.u32 v3, $0x6200  }
0xd0: {  	v9 =	vsub.s32 v51, v0;
	v63 =	vmin.u32 v62, $0x6200;
	[tilespmem:$0x192C8] =	vst v3;
	v3 =	vld [tilespmem:$0x190C8]  }
0xd1: {  	v49 =	vld [tilespmem:$0x19098];
	v9 =	vmin.u32 v9, $0x6200;
	[tilespmem:$0x19178] =	vst v63;
	v2 =	vsub.s32 v2, v0  }
0xd2: {  	v52 =	vld [tilespmem:$0x18FD8];
	v5 =	vsub.s32 v46, v0;
	[tilespmem:$0x19208] =	vst v9;
	v2 =	vmin.u32 v2, $0x6200  }
0xd3: {  	v4 =	vsub.s32 v47, v0;
	v5 =	vmin.u32 v5, $0x6200;
	[tilespmem:$0x19278] =	vst v2;
	v2 =	vld [tilespmem:$0x19068]  }
0xd4: {  	v53 =	vld [tilespmem:$0x19058];
	v6 =	vsub.s32 v48, v0;
	v4 =	vmin.u32 v4, $0x6200;
	[tilespmem:$0x19268] =	vst v5  }
0xd5: {  	v54 =	vld [tilespmem:$0x19048];
	v6 =	vmin.u32 v6, $0x6200;
	[tilespmem:$0x19248] =	vst v4;
	v3 =	vsub.s32 v3, v0  }
0xd6: {  	v56 =	vld [tilespmem:$0x19028];
	v7 =	vsub.s32 v49, v0;
	[tilespmem:$0x19238] =	vst v6;
	v3 =	vmin.u32 v3, $0x6200  }
0xd7: {  	v55 =	vsub.s32 v52, v0;
	v7 =	vmin.u32 v7, $0x6200;
	[tilespmem:$0x19258] =	vst v3;
	v3 =	vld [tilespmem:$0x19038]  }
0xd8: {  	v57 =	vld [tilespmem:$0x19018];
	[tilespmem:$0x19228] =	vst v7;
	v6 =	vmin.u32 v55, $0x6200;
	v2 =	vsub.s32 v2, v0  }
0xd9: {  	v58 =	vld [tilespmem:$0x19008];
	v5 =	vsub.s32 v53, v0;
	[tilespmem:$0x19168] =	vst v6;
	v2 =	vmin.u32 v2, $0x6200  }
0xda: {  	v4 =	vsub.s32 v54, v0;
	v5 =	vmin.u32 v5, $0x6200;
	[tilespmem:$0x191F8] =	vst v2;
	v2 =	vld [tilespmem:$0x18FF8]  }
0xdb: {  	v60 =	vsub.s32 v56, v0;
	v4 =	vmin.u32 v4, $0x6200;
	[tilespmem:$0x191E8] =	vst v5  }
0xdc: {  	[tilespmem:$0x191D8] =	vst v4;
	v5 =	vmin.u32 v60, $0x6200;
	v3 =	vsub.s32 v3, v0  }
0xdd: {  	v61 =	vsub.s32 v57, v0;
	[tilespmem:$0x191B8] =	vst v5;
	v3 =	vmin.u32 v3, $0x6200  }
0xde: {  	v4 =	vmin.u32 v61, $0x6200;
	[tilespmem:$0x191C8] =	vst v3;
	v3 =	vsub.s32 v58, v0  }
0xdf: {  	[tilespmem:$0x191A8] =	vst v4;
	v3 =	vmin.u32 v3, $0x6200;
	v2 =	vsub.s32 v2, v0  }
0xe0: {  	[tilespmem:$0x19198] =	vst v3;
	v2 =	vmin.u32 v2, $0x6200  }
0xe1: {  	[tilespmem:$0x19188] =	vst v2  }
0xe2: {  	[spmem:s3] =	stream.indirect.scatter.add.f32 [tilespmem:s17], [sflag:$0x2], $0x40, s23, s22, $0xb8;
	[tilespmem:$0x1F888] =	vst v63  }
0xe3: {  	_ =	swait.ge [sflag:s13], $0x1400  }
0xe4: {  	[sflag:s13] =	ssyncset.done $0x0  }
0xe5: {  	[sflag:s13] =	ssyncadd.s32 $0xFFFFEC00  }
0xe6: {  	[spmem:s4] =	stream.indirect.scatter.add.f32 [tilespmem:s24], [sflag:$0x2], $0x1, s23, s22, $0xb8;
	[tilespmem:$0x1F888] =	vst v63  }
0xe7: {  	_ =	swait.ge [sflag:s13], $0x50  }
0xe8: {  	[sflag:s13] =	ssyncset.done $0x0  }
0xe9: {  	p0 =	sne.s32 s12, $0x1838;
	[sflag:s13] =	ssyncadd.s32 $0xFFFFFFB0  }
0xea: {  	[spmem:s3] =	stream.indirect.scatter.add.f32 [tilespmem:s26], [sflag:$0x2], $0x40, s25, s22, $0xb8;
	[tilespmem:$0x1F888] =	vst v63  }
.Ltmp0:
0xeb: {  	_ =	swait.ge [sflag:s13], $0x1400;
	(pc) =	sbr.rel @p0 .LBB2_2-.Ltmp0, $4  }
0xec: {  	[sflag:s13] =	ssyncset.done $0x0  }
0xed: {  	[sflag:s13] =	ssyncadd.s32 $0xFFFFEC00  }
0xee: {  	[spmem:s4] =	stream.indirect.scatter.add.f32 [tilespmem:s28], [sflag:$0x2], $0x1, s25, s22, $0xb8;
	[tilespmem:$0x1F888] =	vst v63  }
0xef: {  	s12 =	sadd.s32 $0x32, s12;
	_ =	swait.ge [sflag:s13], $0x50  }
0xf0: {  	[sflag:s13] =	ssyncset.done $0x0  }
0xf1: {  	[sflag:s13] =	ssyncadd.s32 $0xFFFFFFB0  }
0xf2: {  	[spmem:s3] =	stream.indirect.scatter.add.f32 [tilespmem:s30], [sflag:$0x2], $0x40, s29, s22, $0xb8;
	[tilespmem:$0x1F888] =	vst v63  }
0xf3: {  	_ =	swait.ge [sflag:s13], $0x1400  }
0xf4: {  	[sflag:s13] =	ssyncset.done $0x0  }
0xf5: {  	[sflag:s13] =	ssyncadd.s32 $0xFFFFEC00  }
0xf6: {  	[spmem:s4] =	stream.indirect.scatter.add.f32 [tilespmem:s31], [sflag:$0x2], $0x1, s29, s22, $0xb8;
	[tilespmem:$0x1F888] =	vst v63  }
0xf7: {  	_ =	swait.ge [sflag:s13], $0x50  }
0xf8: {  	[sflag:s13] =	ssyncset.done $0x0  }
0xf9: {  	[sflag:s13] =	ssyncadd.s32 $0xFFFFFFB0  }
0xfa: {  	[spmem:s3] =	stream.indirect.scatter.add.f32 [tilespmem:s1], [sflag:$0x2], $0x40, s0, s22, $0xb8;
	[tilespmem:$0x1F888] =	vst v63  }
0xfb: {  	_ =	swait.ge [sflag:s13], $0x1400  }
0xfc: {  	[sflag:s13] =	ssyncset.done $0x0  }
0xfd: {  	[sflag:s13] =	ssyncadd.s32 $0xFFFFEC00  }
0xfe: {  	[spmem:s4] =	stream.indirect.scatter.add.f32 [tilespmem:s6], [sflag:$0x2], $0x1, s0, s22, $0xb8;
	[tilespmem:$0x1F888] =	vst v63  }
0xff: {  	_ =	swait.ge [sflag:s13], $0x50  }
0x100: {  	[sflag:s13] =	ssyncset.done $0x0  }
0x101: {  	[sflag:s13] =	ssyncadd.s32 $0xFFFFFFB0  }
0x102: {  	[spmem:s3] =	stream.indirect.scatter.add.f32 [tilespmem:s9], [sflag:$0x2], $0x40, s8, s22, $0xb8;
	[tilespmem:$0x1F888] =	vst v63  }
0x103: {  	_ =	swait.ge [sflag:s13], $0x1400  }
0x104: {  	[sflag:s13] =	ssyncset.done $0x0  }
0x105: {  	[sflag:s13] =	ssyncadd.s32 $0xFFFFEC00  }
0x106: {  	[spmem:s4] =	stream.indirect.scatter.add.f32 [tilespmem:s10], [sflag:$0x2], $0x1, s8, s22, $0xb8;
	[tilespmem:$0x1F888] =	vst v63  }
0x107: {  	_ =	swait.ge [sflag:s13], $0x50  }
0x108: {  	[sflag:s13] =	ssyncset.done $0x0  }
0x109: {  	[sflag:s13] =	ssyncadd.s32 $0xFFFFFFB0  }
0x10a: {  	[bflag:$0x0] =	sbarrier.arrive $0xFFFF  }
0x10b: {  	s14 =	rddreg [dreg:$0xd]  }
0x10c: {  	s7 =	rddreg [dreg:$0xf]  }
0x10d: {  	s11 =	rddreg [dreg:$0x12]  }
0x10e: {  	[hbm:s7], [sflag:s14] =	dma.local [spmem:s11], $0x3100  }
0x10f: {  	_ =	swait.ge [sflag:s13], $0x3100  }
0x110: {  	[sflag:s13] =	ssyncset.done $0x0;
	s11 =	rddreg [dreg:$0x10]  }
0x111: {  	s12 =	rddreg [dreg:$0x13];
	[sflag:s13] =	ssyncadd.s32 $0xFFFFCF00  }
0x112: {  	[hbm:s11], [sflag:s14] =	dma.local [spmem:s12], $0xC4  }
0x113: {  	_ =	swait.ge [sflag:s13], $0xC4  }
0x114: {  	s7 =	rddreg [dreg:$0x14]  }
0x115: {  	s11 =	sadd.s32 $0x1, s7;
	s7 =	rddreg [dreg:$0x11]  }
0x116: {  	p0 =	sne.s32 s11, s7  }
.Ltmp1:
0x117: {  	_ = 	snop;
	(pc) =	sbr.rel @p0 .LBB2_1-.Ltmp1, $3  }
0x118: {  	_ =	sdelay $0x1  }
0x119: {  	[sflag:s13] =	ssyncset.done $0x0;
	[dreg:$0x14] =	wrdreg s11  }
0x11a: {  	[sflag:s13] =	ssyncadd.s32 $0xFFFFFF3C;
	s11 =	rddreg [dreg:$0x12]  }
0x11b: {  	_ =	sfence.sel $0x180000  }
0x11c: {  	[bflag:$0x0] =	sbarrier.arrive $0xFFFF  }
0x11d: {  	_ =	strace $0x90000047  }
0x11e: {  	s0 =	stileid.u32;
	[bflag:$0x2] =	sbarrier.arrive $0xFFFF  }
0x11f: {  	p0 =	sne.s32 s0, $0x0;
	s0 =	rddreg [dreg:$0x4]  }
0x120: {  	s0 =	sadd.s32 @!p0 $0x100000, s0  }
0x121: {  	[sflag:s0] =	ssyncadd.tile.s32 @!p0 $0x1;
	_ =	shalt  }
.Lfunc_end2:
_tile_overlayer_lowered:
.L_overlay_start_2:
0x122: {  	(tag) =	ssettag $0x2  }
0x123: {  	s0 =	rddreg [dreg:$0x0];
	s2 =	stileid.u32  }
0x124: {  	s1 =	rddreg [dreg:$0x1];
	p0 =	sne.s32 s2, $0x0  }
0x125: {  	s3 =	rddreg [dreg:$0x2];
	[bflag:$0x3] =	sbarrier.arrive $0xFFFF;
	s2 =	simm.s32 @!p0 $0x1C02  }
0x126: {  	[timem:s3], [sflag:s2] =	dma.local @!p0 [hbm:s0], s1  }
0x127: {  	s0 =	simm.s32 @!p0 $0x2  }
0x128: {  	_ =	swait.ge @!p0 [sflag:s0], s1  }
0x129: {  	s1 =	ssub.s32 @!p0 $0x0, s1;
	[sflag:s0] =	ssyncset.done @!p0 $0x0  }
0x12a: {  	[sflag:s0] =	ssyncadd.s32 @!p0 s1  }
0x12b: {  	[bflag:$0x3] =	sbarrier.arrive $0xFFFF  }
0x12c: {  	_ =	shalt  }

</sc_bundles>
